<compile_context>
chip_gen: v7x
topology: tpu7x:2x2x1
jax: 0.10.2.dev20260603
libtpu: 0.0.44.dev20260713+nightly
codegen_flags: <defaults>
</compile_context>

<pallas_src>
import functools

import jax
import jax.numpy as jnp
from jax import lax
from jax.experimental import pallas as pl
from jax.experimental.pallas import tpu as pltpu
from jax.experimental.pallas import tpu_sc as plsc

B = 16384
DEG = 32
D = 128
NC = 2
NS = 16
NW = NC * NS
BPW = B // NW
CH = 128
NPC = CH // DEG
NCHUNK = BPW * DEG // CH
NBUF = 4
HPW = BPW // 2
NGRP = NCHUNK // NBUF


def _sc_gather(table, neigh_flat, nodes, zeros):
    mesh = plsc.VectorSubcoreMesh(core_axis_name="c", subcore_axis_name="s")

    @functools.partial(
        pl.kernel,
        mesh=mesh,
        out_type=[
            jax.ShapeDtypeStruct((B, D), jnp.float32),
            jax.ShapeDtypeStruct((B, D), jnp.float32),
        ],
        scratch_types=[
            pltpu.VMEM((BPW * DEG,), jnp.int32),
            pltpu.VMEM((BPW,), jnp.int32),
            pltpu.VMEM((NBUF, CH, D), jnp.float32),
            pltpu.VMEM((NBUF, CH), jnp.int32),
            pltpu.VMEM_SHARED((NS * HPW, D), jnp.float32),
            pltpu.SemaphoreType.DMA((NBUF,)),
            pltpu.SemaphoreType.DMA((NBUF,)),
            pltpu.SemaphoreType.DMA,
        ],
    )
    def k(table_h, gidx_h, nidx_h, zeros_h, self_o, nsum_o,
          gidx, nidx, bufs, scat, acc, gsem, ssem, zsem):
        c = lax.axis_index("c")
        s = lax.axis_index("s")
        base = (c * NS + s) * BPW

        pltpu.async_copy(zeros_h, acc.at[pl.ds(s * HPW, HPW)], zsem)
        pltpu.sync_copy(gidx_h.at[pl.ds(base * DEG, BPW * DEG)], gidx)
        pltpu.sync_copy(nidx_h.at[pl.ds(base, BPW)], nidx)

        def gcopy(ci, b):
            off = pl.multiple_of(ci * CH, CH)
            return pltpu.make_async_copy(
                table_h.at[gidx.at[pl.ds(off, CH)]], bufs.at[b], gsem.at[b])

        def sc_start(ci, b):
            segbase = s * HPW + jnp.bitwise_and(ci * NPC, HPW - 1)
            for l in range(CH // 16):
                scat[b, pl.ds(l * 16, 16)] = (
                    jnp.zeros((16,), jnp.int32) + (segbase + l * 16 // DEG))
            pltpu.async_copy(bufs.at[b], acc.at[scat.at[b]], ssem.at[b],
                             add=True)

        def sc_wait(b):
            pltpu.make_async_copy(bufs.at[b], acc.at[scat.at[b]],
                                  ssem.at[b]).wait()

        for b in range(NBUF):
            gcopy(b, b).start()
        pltpu.make_async_copy(zeros_h, acc.at[pl.ds(s * HPW, HPW)],
                              zsem).wait()

        def body(j, carry):
            for b in range(NBUF):
                ci = NBUF * j + b
                gcopy(ci, b).wait()
                sc_start(ci, b)
            for b in range(NBUF):
                sc_wait(b)

                @pl.when(j < NGRP - 1)
                def _():
                    gcopy(NBUF * (j + 1) + b, b).start()

            @pl.when(j == NGRP // 2 - 1)
            def _():
                pltpu.sync_copy(acc.at[pl.ds(s * HPW, HPW)],
                                nsum_o.at[pl.ds(pl.multiple_of(base, CH),
                                                HPW)])
                pltpu.sync_copy(zeros_h, acc.at[pl.ds(s * HPW, HPW)])
            return carry

        lax.fori_loop(0, NGRP, body, 0)

        def sget(kk, b):
            return pltpu.make_async_copy(
                table_h.at[nidx.at[pl.ds(kk * CH, CH)]], bufs.at[b], gsem.at[b])

        for kk in range(BPW // CH):
            sget(kk, kk % NBUF).start()
        for kk in range(BPW // CH):
            sget(kk, kk % NBUF).wait()
            dst = pl.multiple_of(base + kk * CH, CH)
            pltpu.sync_copy(bufs.at[kk % NBUF], self_o.at[pl.ds(dst, CH)])

        pltpu.sync_copy(acc.at[pl.ds(s * HPW, HPW)],
                        nsum_o.at[pl.ds(pl.multiple_of(base + HPW, CH), HPW)])

    return k(table, neigh_flat, nodes, zeros)


def _tc_dense(self_feats, nsum, W1, b1, gamma, beta):
    def body(x_ref, n_ref, w_ref, b_ref, g_ref, bb_ref, o_ref):
        x = x_ref[...]
        n = n_ref[...] * (1.0 / DEG)
        w = w_ref[...]
        lin = lax.dot_general(x, w[:, :D], (((1,), (1,)), ((), ())),
                              preferred_element_type=jnp.float32)
        lin = lin + lax.dot_general(n, w[:, D:], (((1,), (1,)), ((), ())),
                                    preferred_element_type=jnp.float32)
        lin = lin + b_ref[...]
        mu = jnp.mean(lin, axis=0, keepdims=True)
        xc = lin - mu
        var = jnp.mean(xc * xc, axis=0, keepdims=True)
        y = xc * lax.rsqrt(var + 1e-5) * g_ref[...] + bb_ref[...]
        o_ref[...] = jnp.maximum(y, 0.0)

    return pl.pallas_call(
        body,
        out_shape=jax.ShapeDtypeStruct((B, D), jnp.float32),
    )(self_feats, nsum, W1,
      b1.reshape(1, D), gamma.reshape(1, D), beta.reshape(1, D))


def kernel(nodes, neighbors, emb_table, W1, b1, gamma, beta):
    zeros = jnp.zeros((HPW, D), jnp.float32)
    self_feats, nsum = _sc_gather(emb_table, neighbors.reshape(-1), nodes, zeros)
    return _tc_dense(self_feats, nsum, W1, b1, gamma, beta)

# --- scband reference (transcript-rebuilt; emitter-appended) ---
"""Pipeline reference for scband-u-social-encoder-13168369729714 (READ-ONLY COPY).

The authoritative reference and input builder live on the scoring server;
editing this copy changes nothing except your own understanding.
"""

import jax, jax.numpy as jnp
import numpy as np

B = 16384
DEG = 32
N_TABLE = 100000
D = 128


def setup_inputs(seed: int = 0) -> dict:
    key = jax.random.key(seed)
    k1, k2, k3, k4 = jax.random.split(key, 4)
    nodes = jax.random.randint(k1, (B,), 0, N_TABLE, dtype=jnp.int32)
    neighbors = jax.random.randint(k2, (B, DEG), 0, N_TABLE, dtype=jnp.int32)
    emb_table = jax.random.normal(k3, (N_TABLE, D), dtype=jnp.float32) * 0.05
    W1 = jax.random.normal(k4, (D, 2 * D), dtype=jnp.float32) * (1.0 / np.sqrt(2 * D))
    b1 = jnp.zeros((D,), dtype=jnp.float32)
    gamma = jnp.ones((D,), dtype=jnp.float32)
    beta = jnp.zeros((D,), dtype=jnp.float32)
    return {"nodes": nodes, "neighbors": neighbors, "emb_table": emb_table,
            "W1": W1, "b1": b1, "gamma": gamma, "beta": beta}


def reference(nodes, neighbors, emb_table, W1, b1, gamma, beta):
    # aggregator.forward(nodes, to_neighs): mean of neighbor embeddings
    neigh = jnp.take(emb_table, neighbors, axis=0)          # [B, DEG, D] gather
    neigh_feats = jnp.mean(neigh, axis=1)                   # [B, D]
    # self_feats = features(nodes).t()  -> net effect: table lookup [B, D]
    self_feats = jnp.take(emb_table, nodes, axis=0)         # [B, D] gather
    combined = jnp.concatenate([self_feats, neigh_feats], axis=1)  # [B, 2D]
    lin = combined @ W1.T + b1                              # Linear(2D -> D)
    # BatchNorm1d in training mode (batch statistics)
    mu = jnp.mean(lin, axis=0, keepdims=True)
    var = jnp.var(lin, axis=0, keepdims=True)
    bn = (lin - mu) / jnp.sqrt(var + 1e-5) * gamma + beta
    return jax.nn.relu(bn)

if __name__ == "__main__":
    import jax
    _d = setup_inputs()
    print(jax.jit(kernel)(*tuple(_d.values())))

</pallas_src>

<mosaic_0001>
#map = affine_map<(d0, d1) -> (0, 0)>
#map1 = affine_map<(d0, d1) -> (0)>
module attributes {stable_mosaic.version = 14 : i64} {
  func.func @k(%arg0: i32, %arg1: i32, %arg2: memref<100000x128xf32, #tpu.memory_space<hbm>>, %arg3: memref<524288xi32, #tpu.memory_space<hbm>>, %arg4: memref<16384xi32, #tpu.memory_space<hbm>>, %arg5: memref<256x128xf32, #tpu.memory_space<hbm>>, %arg6: memref<16384x128xf32, #tpu.memory_space<hbm>>, %arg7: memref<16384x128xf32, #tpu.memory_space<hbm>>, %arg8: memref<16384xi32, #tpu.memory_space<vmem>>, %arg9: memref<512xi32, #tpu.memory_space<vmem>>, %arg10: memref<4x128x128xf32, #tpu.memory_space<vmem>>, %arg11: memref<4x128xi32, #tpu.memory_space<vmem>>, %arg12: memref<4096x128xf32, #tpu.memory_space<vmem_shared>>, %arg13: memref<4x!tpu.dma_semaphore, #tpu.memory_space<semaphore_mem>>, %arg14: memref<4x!tpu.dma_semaphore, #tpu.memory_space<semaphore_mem>>, %arg15: memref<!tpu.dma_semaphore, #tpu.memory_space<semaphore_mem>>) attributes {dimension_semantics = [#tpu.dimension_semantics<core_parallel>, #tpu.dimension_semantics<subcore_parallel>], iteration_bounds = array<i64: 2, 16>, scalar_prefetch = 0 : i64, scratch_operands = 8 : i64, tpu.core_type = #tpu.core_type<sc_vector_subcore>, window_params = [{transform_indices = #map}, {transform_indices = #map1}, {transform_indices = #map1}, {transform_indices = #map}, {transform_indices = #map}, {transform_indices = #map}]} {
    %mul3A = arith.constant 16 : i32
    %mul3A_0 = arith.muli %arg0, %mul3A : i32
    %add3A = arith.addi %mul3A_0, %arg1 : i32
    %mul3A_1 = arith.constant 512 : i32
    %mul3A_2 = arith.muli %add3A, %mul3A_1 : i32
    %mul3A_3 = arith.constant 256 : i32
    %mul3A_4 = arith.muli %arg1, %mul3A_3 : i32
    %dma_start3A = arith.constant 0 : i32
    %dma_start3A_5 = tpu.memref_slice %arg12[%mul3A_4, %dma_start3A] : memref<4096x128xf32, #tpu.memory_space<vmem_shared>> -> memref<256x128xf32, #tpu.memory_space<vmem_shared>>
    tpu.enqueue_dma source(%arg5 : memref<256x128xf32, #tpu.memory_space<hbm>>) target(%dma_start3A_5 : memref<256x128xf32, #tpu.memory_space<vmem_shared>>) target_semaphore(%arg15 : memref<!tpu.dma_semaphore, #tpu.memory_space<semaphore_mem>>)
    %mul3A_6 = arith.constant 32 : i32
    %mul3A_7 = arith.muli %mul3A_2, %mul3A_6 : i32
    "tpu.region"() ({
      %run_scoped3A_195 = tpu.sem_alloc : memref<!tpu.dma_semaphore, #tpu.memory_space<semaphore_mem>>
      %dma_start3A_196 = tpu.memref_slice %arg3[%mul3A_7] : memref<524288xi32, #tpu.memory_space<hbm>> -> memref<16384xi32, #tpu.memory_space<hbm>>
      %dma_start3A_197 = tpu.memref_slice %arg3[%mul3A_7] : memref<524288xi32, #tpu.memory_space<hbm>> -> memref<16384xi32, #tpu.memory_space<hbm>>
      tpu.enqueue_dma source(%dma_start3A_197 : memref<16384xi32, #tpu.memory_space<hbm>>) target(%arg8 : memref<16384xi32, #tpu.memory_space<vmem>>) target_semaphore(%run_scoped3A_195 : memref<!tpu.dma_semaphore, #tpu.memory_space<semaphore_mem>>)
      %dma_wait3A_198 = tpu.memref_slice %arg3[%mul3A_7] : memref<524288xi32, #tpu.memory_space<hbm>> -> memref<16384xi32, #tpu.memory_space<hbm>>
      %dma_wait3A_199 = tpu.memref_slice %arg3[%mul3A_7] : memref<524288xi32, #tpu.memory_space<hbm>> -> memref<16384xi32, #tpu.memory_space<hbm>>
      tpu.wait_dma2 semaphore(%run_scoped3A_195 : memref<!tpu.dma_semaphore, #tpu.memory_space<semaphore_mem>>) src(%dma_wait3A_199 : memref<16384xi32, #tpu.memory_space<hbm>>) dst(%arg8 : memref<16384xi32, #tpu.memory_space<vmem>>)
      tpu.yield
    }) : () -> ()
    "tpu.region"() ({
      %run_scoped3A_195 = tpu.sem_alloc : memref<!tpu.dma_semaphore, #tpu.memory_space<semaphore_mem>>
      %dma_start3A_196 = tpu.memref_slice %arg4[%mul3A_2] : memref<16384xi32, #tpu.memory_space<hbm>> -> memref<512xi32, #tpu.memory_space<hbm>>
      %dma_start3A_197 = tpu.memref_slice %arg4[%mul3A_2] : memref<16384xi32, #tpu.memory_space<hbm>> -> memref<512xi32, #tpu.memory_space<hbm>>
      tpu.enqueue_dma source(%dma_start3A_197 : memref<512xi32, #tpu.memory_space<hbm>>) target(%arg9 : memref<512xi32, #tpu.memory_space<vmem>>) target_semaphore(%run_scoped3A_195 : memref<!tpu.dma_semaphore, #tpu.memory_space<semaphore_mem>>)
      %dma_wait3A_198 = tpu.memref_slice %arg4[%mul3A_2] : memref<16384xi32, #tpu.memory_space<hbm>> -> memref<512xi32, #tpu.memory_space<hbm>>
      %dma_wait3A_199 = tpu.memref_slice %arg4[%mul3A_2] : memref<16384xi32, #tpu.memory_space<hbm>> -> memref<512xi32, #tpu.memory_space<hbm>>
      tpu.wait_dma2 semaphore(%run_scoped3A_195 : memref<!tpu.dma_semaphore, #tpu.memory_space<semaphore_mem>>) src(%dma_wait3A_199 : memref<512xi32, #tpu.memory_space<hbm>>) dst(%arg9 : memref<512xi32, #tpu.memory_space<vmem>>)
      tpu.yield
    }) : () -> ()
    %multiple_of3A = arith.constant 0 : i32
    %multiple_of3A_8 = tpu.assume_multiple %multiple_of3A, 128 : i32
    %dma_start3A_9 = arith.constant 0 : i32
    %dma_start3A_10 = arith.constant 0 : i32
    %dma_start3A_11 = arith.constant 0 : i32
    %dma_start3A_12 = arith.constant 0 : i32
    %dma_start3A_13 = tpu.memref_slice %arg10[%dma_start3A_9, %dma_start3A_11, %dma_start3A_12] : memref<4x128x128xf32, #tpu.memory_space<vmem>> -> memref<1x128x128xf32, #tpu.memory_space<vmem>>
    %dma_start3A_14 = tpu.memref_squeeze %dma_start3A_13 : memref<1x128x128xf32, #tpu.memory_space<vmem>> -> memref<128x128xf32, #tpu.memory_space<vmem>>
    %dma_start3A_15 = tpu.memref_slice %arg8[%multiple_of3A_8] : memref<16384xi32, #tpu.memory_space<vmem>> -> memref<128xi32, #tpu.memory_space<vmem>>
    %dma_start3A_16 = arith.constant 0 : i32
    %dma_start3A_17 = arith.constant 0 : i32
    %dma_start3A_18 = tpu.memref_slice %arg2[%dma_start3A_16, %dma_start3A_17] : memref<100000x128xf32, #tpu.memory_space<hbm>> -> memref<100000x128xf32, #tpu.memory_space<hbm>>
    %dma_start3A_19 = tpu.memref_slice %arg13[%dma_start3A_10] : memref<4x!tpu.dma_semaphore, #tpu.memory_space<semaphore_mem>> -> memref<1x!tpu.dma_semaphore, #tpu.memory_space<semaphore_mem>>
    %dma_start3A_20 = tpu.memref_squeeze %dma_start3A_19 : memref<1x!tpu.dma_semaphore, #tpu.memory_space<semaphore_mem>> -> memref<!tpu.dma_semaphore, #tpu.memory_space<semaphore_mem>>
    tpu.enqueue_indirect_dma source(%dma_start3A_18 : memref<100000x128xf32, #tpu.memory_space<hbm>>) target(%dma_start3A_14 : memref<128x128xf32, #tpu.memory_space<vmem>>) offsets(%dma_start3A_15 : memref<128xi32, #tpu.memory_space<vmem>>) semaphore(%dma_start3A_20 : memref<!tpu.dma_semaphore, #tpu.memory_space<semaphore_mem>>)
    %multiple_of3A_21 = arith.constant 128 : i32
    %multiple_of3A_22 = tpu.assume_multiple %multiple_of3A_21, 128 : i32
    %dma_start3A_23 = arith.constant 1 : i32
    %dma_start3A_24 = arith.constant 1 : i32
    %dma_start3A_25 = arith.constant 0 : i32
    %dma_start3A_26 = arith.constant 0 : i32
    %dma_start3A_27 = tpu.memref_slice %arg10[%dma_start3A_23, %dma_start3A_25, %dma_start3A_26] : memref<4x128x128xf32, #tpu.memory_space<vmem>> -> memref<1x128x128xf32, #tpu.memory_space<vmem>>
    %dma_start3A_28 = tpu.memref_squeeze %dma_start3A_27 : memref<1x128x128xf32, #tpu.memory_space<vmem>> -> memref<128x128xf32, #tpu.memory_space<vmem>>
    %dma_start3A_29 = tpu.memref_slice %arg8[%multiple_of3A_22] : memref<16384xi32, #tpu.memory_space<vmem>> -> memref<128xi32, #tpu.memory_space<vmem>>
    %dma_start3A_30 = arith.constant 0 : i32
    %dma_start3A_31 = arith.constant 0 : i32
    %dma_start3A_32 = tpu.memref_slice %arg2[%dma_start3A_30, %dma_start3A_31] : memref<100000x128xf32, #tpu.memory_space<hbm>> -> memref<100000x128xf32, #tpu.memory_space<hbm>>
    %dma_start3A_33 = tpu.memref_slice %arg13[%dma_start3A_24] : memref<4x!tpu.dma_semaphore, #tpu.memory_space<semaphore_mem>> -> memref<1x!tpu.dma_semaphore, #tpu.memory_space<semaphore_mem>>
    %dma_start3A_34 = tpu.memref_squeeze %dma_start3A_33 : memref<1x!tpu.dma_semaphore, #tpu.memory_space<semaphore_mem>> -> memref<!tpu.dma_semaphore, #tpu.memory_space<semaphore_mem>>
    tpu.enqueue_indirect_dma source(%dma_start3A_32 : memref<100000x128xf32, #tpu.memory_space<hbm>>) target(%dma_start3A_28 : memref<128x128xf32, #tpu.memory_space<vmem>>) offsets(%dma_start3A_29 : memref<128xi32, #tpu.memory_space<vmem>>) semaphore(%dma_start3A_34 : memref<!tpu.dma_semaphore, #tpu.memory_space<semaphore_mem>>)
    %multiple_of3A_35 = arith.constant 256 : i32
    %multiple_of3A_36 = tpu.assume_multiple %multiple_of3A_35, 128 : i32
    %dma_start3A_37 = arith.constant 2 : i32
    %dma_start3A_38 = arith.constant 2 : i32
    %dma_start3A_39 = arith.constant 0 : i32
    %dma_start3A_40 = arith.constant 0 : i32
    %dma_start3A_41 = tpu.memref_slice %arg10[%dma_start3A_37, %dma_start3A_39, %dma_start3A_40] : memref<4x128x128xf32, #tpu.memory_space<vmem>> -> memref<1x128x128xf32, #tpu.memory_space<vmem>>
    %dma_start3A_42 = tpu.memref_squeeze %dma_start3A_41 : memref<1x128x128xf32, #tpu.memory_space<vmem>> -> memref<128x128xf32, #tpu.memory_space<vmem>>
    %dma_start3A_43 = tpu.memref_slice %arg8[%multiple_of3A_36] : memref<16384xi32, #tpu.memory_space<vmem>> -> memref<128xi32, #tpu.memory_space<vmem>>
    %dma_start3A_44 = arith.constant 0 : i32
    %dma_start3A_45 = arith.constant 0 : i32
    %dma_start3A_46 = tpu.memref_slice %arg2[%dma_start3A_44, %dma_start3A_45] : memref<100000x128xf32, #tpu.memory_space<hbm>> -> memref<100000x128xf32, #tpu.memory_space<hbm>>
    %dma_start3A_47 = tpu.memref_slice %arg13[%dma_start3A_38] : memref<4x!tpu.dma_semaphore, #tpu.memory_space<semaphore_mem>> -> memref<1x!tpu.dma_semaphore, #tpu.memory_space<semaphore_mem>>
    %dma_start3A_48 = tpu.memref_squeeze %dma_start3A_47 : memref<1x!tpu.dma_semaphore, #tpu.memory_space<semaphore_mem>> -> memref<!tpu.dma_semaphore, #tpu.memory_space<semaphore_mem>>
    tpu.enqueue_indirect_dma source(%dma_start3A_46 : memref<100000x128xf32, #tpu.memory_space<hbm>>) target(%dma_start3A_42 : memref<128x128xf32, #tpu.memory_space<vmem>>) offsets(%dma_start3A_43 : memref<128xi32, #tpu.memory_space<vmem>>) semaphore(%dma_start3A_48 : memref<!tpu.dma_semaphore, #tpu.memory_space<semaphore_mem>>)
    %multiple_of3A_49 = arith.constant 384 : i32
    %multiple_of3A_50 = tpu.assume_multiple %multiple_of3A_49, 128 : i32
    %dma_start3A_51 = arith.constant 3 : i32
    %dma_start3A_52 = arith.constant 3 : i32
    %dma_start3A_53 = arith.constant 0 : i32
    %dma_start3A_54 = arith.constant 0 : i32
    %dma_start3A_55 = tpu.memref_slice %arg10[%dma_start3A_51, %dma_start3A_53, %dma_start3A_54] : memref<4x128x128xf32, #tpu.memory_space<vmem>> -> memref<1x128x128xf32, #tpu.memory_space<vmem>>
    %dma_start3A_56 = tpu.memref_squeeze %dma_start3A_55 : memref<1x128x128xf32, #tpu.memory_space<vmem>> -> memref<128x128xf32, #tpu.memory_space<vmem>>
    %dma_start3A_57 = tpu.memref_slice %arg8[%multiple_of3A_50] : memref<16384xi32, #tpu.memory_space<vmem>> -> memref<128xi32, #tpu.memory_space<vmem>>
    %dma_start3A_58 = arith.constant 0 : i32
    %dma_start3A_59 = arith.constant 0 : i32
    %dma_start3A_60 = tpu.memref_slice %arg2[%dma_start3A_58, %dma_start3A_59] : memref<100000x128xf32, #tpu.memory_space<hbm>> -> memref<100000x128xf32, #tpu.memory_space<hbm>>
    %dma_start3A_61 = tpu.memref_slice %arg13[%dma_start3A_52] : memref<4x!tpu.dma_semaphore, #tpu.memory_space<semaphore_mem>> -> memref<1x!tpu.dma_semaphore, #tpu.memory_space<semaphore_mem>>
    %dma_start3A_62 = tpu.memref_squeeze %dma_start3A_61 : memref<1x!tpu.dma_semaphore, #tpu.memory_space<semaphore_mem>> -> memref<!tpu.dma_semaphore, #tpu.memory_space<semaphore_mem>>
    tpu.enqueue_indirect_dma source(%dma_start3A_60 : memref<100000x128xf32, #tpu.memory_space<hbm>>) target(%dma_start3A_56 : memref<128x128xf32, #tpu.memory_space<vmem>>) offsets(%dma_start3A_57 : memref<128xi32, #tpu.memory_space<vmem>>) semaphore(%dma_start3A_62 : memref<!tpu.dma_semaphore, #tpu.memory_space<semaphore_mem>>)
    %mul3A_63 = arith.constant 256 : i32
    %mul3A_64 = arith.muli %arg1, %mul3A_63 : i32
    %dma_wait3A = arith.constant 0 : i32
    %dma_wait3A_65 = tpu.memref_slice %arg12[%mul3A_64, %dma_wait3A] : memref<4096x128xf32, #tpu.memory_space<vmem_shared>> -> memref<256x128xf32, #tpu.memory_space<vmem_shared>>
    tpu.wait_dma2 semaphore(%arg15 : memref<!tpu.dma_semaphore, #tpu.memory_space<semaphore_mem>>) src(%arg5 : memref<256x128xf32, #tpu.memory_space<hbm>>) dst(%dma_wait3A_65 : memref<256x128xf32, #tpu.memory_space<vmem_shared>>)
    %scan3A = arith.constant 0 : i32
    %scan3A_66 = arith.constant 0 : i32
    %scan3A_67 = arith.constant 32 : i32
    %scan3A_68 = arith.addi %scan3A_66, %scan3A_67 : i32
    %scan3A_69 = arith.constant 1 : i32
    scf.for %scan3A_195 = %scan3A_66 to %scan3A_68 step %scan3A_69  : i32 {
      %mul3A_196 = arith.constant 4 : i32
      %mul3A_197 = arith.muli %mul3A_196, %scan3A_195 : i32
      %add3A_198 = arith.constant 0 : i32
      %add3A_199 = arith.addi %mul3A_197, %add3A_198 : i32
      %mul3A_200 = arith.constant 128 : i32
      %mul3A_201 = arith.muli %add3A_199, %mul3A_200 : i32
      %multiple_of3A_202 = tpu.assume_multiple %mul3A_201, 128 : i32
      %dma_wait3A_203 = arith.constant 0 : i32
      %dma_wait3A_204 = arith.constant 0 : i32
      %dma_wait3A_205 = arith.constant 0 : i32
      %dma_wait3A_206 = arith.constant 0 : i32
      %dma_wait3A_207 = tpu.memref_slice %arg10[%dma_wait3A_203, %dma_wait3A_205, %dma_wait3A_206] : memref<4x128x128xf32, #tpu.memory_space<vmem>> -> memref<1x128x128xf32, #tpu.memory_space<vmem>>
      %dma_wait3A_208 = tpu.memref_squeeze %dma_wait3A_207 : memref<1x128x128xf32, #tpu.memory_space<vmem>> -> memref<128x128xf32, #tpu.memory_space<vmem>>
      %dma_wait3A_209 = tpu.memref_slice %arg8[%multiple_of3A_202] : memref<16384xi32, #tpu.memory_space<vmem>> -> memref<128xi32, #tpu.memory_space<vmem>>
      %dma_wait3A_210 = arith.constant 0 : i32
      %dma_wait3A_211 = arith.constant 0 : i32
      %dma_wait3A_212 = tpu.memref_slice %arg2[%dma_wait3A_210, %dma_wait3A_211] : memref<100000x128xf32, #tpu.memory_space<hbm>> -> memref<100000x128xf32, #tpu.memory_space<hbm>>
      %dma_wait3A_213 = tpu.memref_slice %arg13[%dma_wait3A_204] : memref<4x!tpu.dma_semaphore, #tpu.memory_space<semaphore_mem>> -> memref<1x!tpu.dma_semaphore, #tpu.memory_space<semaphore_mem>>
      %dma_wait3A_214 = tpu.memref_squeeze %dma_wait3A_213 : memref<1x!tpu.dma_semaphore, #tpu.memory_space<semaphore_mem>> -> memref<!tpu.dma_semaphore, #tpu.memory_space<semaphore_mem>>
      tpu.wait_indirect_dma semaphore(%dma_wait3A_214 : memref<!tpu.dma_semaphore, #tpu.memory_space<semaphore_mem>>) src(%dma_wait3A_212 : memref<100000x128xf32, #tpu.memory_space<hbm>>) dst(%dma_wait3A_208 : memref<128x128xf32, #tpu.memory_space<vmem>>)
      %mul3A_215 = arith.constant 256 : i32
      %mul3A_216 = arith.muli %arg1, %mul3A_215 : i32
      %mul3A_217 = arith.constant 4 : i32
      %mul3A_218 = arith.muli %add3A_199, %mul3A_217 : i32
      %and3A = arith.constant 255 : i32
      %and3A_219 = arith.andi %mul3A_218, %and3A : i32
      %add3A_220 = arith.addi %mul3A_216, %and3A_219 : i32
      %broadcast_in_dim3A = arith.constant 0 : i32
      %broadcast_in_dim3A_221 = vector.broadcast %broadcast_in_dim3A : i32 to vector<16xi32>
      %add3A_222 = arith.constant 0 : i32
      %add3A_223 = arith.addi %add3A_220, %add3A_222 : i32
      %add3A_224 = vector.broadcast %add3A_223 : i32 to vector<16xi32>
      %add3A_225 = arith.addi %broadcast_in_dim3A_221, %add3A_224 : vector<16xi32>
      %swap3A = arith.constant 0 : i32
      %swap3A_226 = arith.index_cast %swap3A : i32 to index
      %swap3A_227 = arith.constant 0 : index
      %swap3A_228 = tpu.vector_load %arg11[%swap3A_226, %swap3A_227] {strides = array<i32>} : memref<4x128xi32, #tpu.memory_space<vmem>>, vector<1x16xi32>,
      %swap3A_229 = vector.shape_cast %swap3A_228 : vector<1x16xi32> to vector<16xi32>
      %swap3A_230 = vector.shape_cast %add3A_225 : vector<16xi32> to vector<1x16xi32>
      tpu.vector_store %arg11[%swap3A_226, %swap3A_227], %swap3A_230 {strides = array<i32>} : memref<4x128xi32, #tpu.memory_space<vmem>>, vector<1x16xi32>,
      %broadcast_in_dim3A_231 = arith.constant 0 : i32
      %broadcast_in_dim3A_232 = vector.broadcast %broadcast_in_dim3A_231 : i32 to vector<16xi32>
      %add3A_233 = arith.constant 0 : i32
      %add3A_234 = arith.addi %add3A_220, %add3A_233 : i32
      %add3A_235 = vector.broadcast %add3A_234 : i32 to vector<16xi32>
      %add3A_236 = arith.addi %broadcast_in_dim3A_232, %add3A_235 : vector<16xi32>
      %swap3A_237 = arith.constant 0 : i32
      %swap3A_238 = arith.index_cast %swap3A_237 : i32 to index
      %swap3A_239 = arith.constant 16 : index
      %swap3A_240 = tpu.vector_load %arg11[%swap3A_238, %swap3A_239] {strides = array<i32>} : memref<4x128xi32, #tpu.memory_space<vmem>>, vector<1x16xi32>,
      %swap3A_241 = vector.shape_cast %swap3A_240 : vector<1x16xi32> to vector<16xi32>
      %swap3A_242 = vector.shape_cast %add3A_236 : vector<16xi32> to vector<1x16xi32>
      tpu.vector_store %arg11[%swap3A_238, %swap3A_239], %swap3A_242 {strides = array<i32>} : memref<4x128xi32, #tpu.memory_space<vmem>>, vector<1x16xi32>,
      %broadcast_in_dim3A_243 = arith.constant 0 : i32
      %broadcast_in_dim3A_244 = vector.broadcast %broadcast_in_dim3A_243 : i32 to vector<16xi32>
      %add3A_245 = arith.constant 1 : i32
      %add3A_246 = arith.addi %add3A_220, %add3A_245 : i32
      %add3A_247 = vector.broadcast %add3A_246 : i32 to vector<16xi32>
      %add3A_248 = arith.addi %broadcast_in_dim3A_244, %add3A_247 : vector<16xi32>
      %swap3A_249 = arith.constant 0 : i32
      %swap3A_250 = arith.index_cast %swap3A_249 : i32 to index
      %swap3A_251 = arith.constant 32 : index
      %swap3A_252 = tpu.vector_load %arg11[%swap3A_250, %swap3A_251] {strides = array<i32>} : memref<4x128xi32, #tpu.memory_space<vmem>>, vector<1x16xi32>,
      %swap3A_253 = vector.shape_cast %swap3A_252 : vector<1x16xi32> to vector<16xi32>
      %swap3A_254 = vector.shape_cast %add3A_248 : vector<16xi32> to vector<1x16xi32>
      tpu.vector_store %arg11[%swap3A_250, %swap3A_251], %swap3A_254 {strides = array<i32>} : memref<4x128xi32, #tpu.memory_space<vmem>>, vector<1x16xi32>,
      %broadcast_in_dim3A_255 = arith.constant 0 : i32
      %broadcast_in_dim3A_256 = vector.broadcast %broadcast_in_dim3A_255 : i32 to vector<16xi32>
      %add3A_257 = arith.constant 1 : i32
      %add3A_258 = arith.addi %add3A_220, %add3A_257 : i32
      %add3A_259 = vector.broadcast %add3A_258 : i32 to vector<16xi32>
      %add3A_260 = arith.addi %broadcast_in_dim3A_256, %add3A_259 : vector<16xi32>
      %swap3A_261 = arith.constant 0 : i32
      %swap3A_262 = arith.index_cast %swap3A_261 : i32 to index
      %swap3A_263 = arith.constant 48 : index
      %swap3A_264 = tpu.vector_load %arg11[%swap3A_262, %swap3A_263] {strides = array<i32>} : memref<4x128xi32, #tpu.memory_space<vmem>>, vector<1x16xi32>,
      %swap3A_265 = vector.shape_cast %swap3A_264 : vector<1x16xi32> to vector<16xi32>
      %swap3A_266 = vector.shape_cast %add3A_260 : vector<16xi32> to vector<1x16xi32>
      tpu.vector_store %arg11[%swap3A_262, %swap3A_263], %swap3A_266 {strides = array<i32>} : memref<4x128xi32, #tpu.memory_space<vmem>>, vector<1x16xi32>,
      %broadcast_in_dim3A_267 = arith.constant 0 : i32
      %broadcast_in_dim3A_268 = vector.broadcast %broadcast_in_dim3A_267 : i32 to vector<16xi32>
      %add3A_269 = arith.constant 2 : i32
      %add3A_270 = arith.addi %add3A_220, %add3A_269 : i32
      %add3A_271 = vector.broadcast %add3A_270 : i32 to vector<16xi32>
      %add3A_272 = arith.addi %broadcast_in_dim3A_268, %add3A_271 : vector<16xi32>
      %swap3A_273 = arith.constant 0 : i32
      %swap3A_274 = arith.index_cast %swap3A_273 : i32 to index
      %swap3A_275 = arith.constant 64 : index
      %swap3A_276 = tpu.vector_load %arg11[%swap3A_274, %swap3A_275] {strides = array<i32>} : memref<4x128xi32, #tpu.memory_space<vmem>>, vector<1x16xi32>,
      %swap3A_277 = vector.shape_cast %swap3A_276 : vector<1x16xi32> to vector<16xi32>
      %swap3A_278 = vector.shape_cast %add3A_272 : vector<16xi32> to vector<1x16xi32>
      tpu.vector_store %arg11[%swap3A_274, %swap3A_275], %swap3A_278 {strides = array<i32>} : memref<4x128xi32, #tpu.memory_space<vmem>>, vector<1x16xi32>,
      %broadcast_in_dim3A_279 = arith.constant 0 : i32
      %broadcast_in_dim3A_280 = vector.broadcast %broadcast_in_dim3A_279 : i32 to vector<16xi32>
      %add3A_281 = arith.constant 2 : i32
      %add3A_282 = arith.addi %add3A_220, %add3A_281 : i32
      %add3A_283 = vector.broadcast %add3A_282 : i32 to vector<16xi32>
      %add3A_284 = arith.addi %broadcast_in_dim3A_280, %add3A_283 : vector<16xi32>
      %swap3A_285 = arith.constant 0 : i32
      %swap3A_286 = arith.index_cast %swap3A_285 : i32 to index
      %swap3A_287 = arith.constant 80 : index
      %swap3A_288 = tpu.vector_load %arg11[%swap3A_286, %swap3A_287] {strides = array<i32>} : memref<4x128xi32, #tpu.memory_space<vmem>>, vector<1x16xi32>,
      %swap3A_289 = vector.shape_cast %swap3A_288 : vector<1x16xi32> to vector<16xi32>
      %swap3A_290 = vector.shape_cast %add3A_284 : vector<16xi32> to vector<1x16xi32>
      tpu.vector_store %arg11[%swap3A_286, %swap3A_287], %swap3A_290 {strides = array<i32>} : memref<4x128xi32, #tpu.memory_space<vmem>>, vector<1x16xi32>,
      %broadcast_in_dim3A_291 = arith.constant 0 : i32
      %broadcast_in_dim3A_292 = vector.broadcast %broadcast_in_dim3A_291 : i32 to vector<16xi32>
      %add3A_293 = arith.constant 3 : i32
      %add3A_294 = arith.addi %add3A_220, %add3A_293 : i32
      %add3A_295 = vector.broadcast %add3A_294 : i32 to vector<16xi32>
      %add3A_296 = arith.addi %broadcast_in_dim3A_292, %add3A_295 : vector<16xi32>
      %swap3A_297 = arith.constant 0 : i32
      %swap3A_298 = arith.index_cast %swap3A_297 : i32 to index
      %swap3A_299 = arith.constant 96 : index
      %swap3A_300 = tpu.vector_load %arg11[%swap3A_298, %swap3A_299] {strides = array<i32>} : memref<4x128xi32, #tpu.memory_space<vmem>>, vector<1x16xi32>,
      %swap3A_301 = vector.shape_cast %swap3A_300 : vector<1x16xi32> to vector<16xi32>
      %swap3A_302 = vector.shape_cast %add3A_296 : vector<16xi32> to vector<1x16xi32>
      tpu.vector_store %arg11[%swap3A_298, %swap3A_299], %swap3A_302 {strides = array<i32>} : memref<4x128xi32, #tpu.memory_space<vmem>>, vector<1x16xi32>,
      %broadcast_in_dim3A_303 = arith.constant 0 : i32
      %broadcast_in_dim3A_304 = vector.broadcast %broadcast_in_dim3A_303 : i32 to vector<16xi32>
      %add3A_305 = arith.constant 3 : i32
      %add3A_306 = arith.addi %add3A_220, %add3A_305 : i32
      %add3A_307 = vector.broadcast %add3A_306 : i32 to vector<16xi32>
      %add3A_308 = arith.addi %broadcast_in_dim3A_304, %add3A_307 : vector<16xi32>
      %swap3A_309 = arith.constant 0 : i32
      %swap3A_310 = arith.index_cast %swap3A_309 : i32 to index
      %swap3A_311 = arith.constant 112 : index
      %swap3A_312 = tpu.vector_load %arg11[%swap3A_310, %swap3A_311] {strides = array<i32>} : memref<4x128xi32, #tpu.memory_space<vmem>>, vector<1x16xi32>,
      %swap3A_313 = vector.shape_cast %swap3A_312 : vector<1x16xi32> to vector<16xi32>
      %swap3A_314 = vector.shape_cast %add3A_308 : vector<16xi32> to vector<1x16xi32>
      tpu.vector_store %arg11[%swap3A_310, %swap3A_311], %swap3A_314 {strides = array<i32>} : memref<4x128xi32, #tpu.memory_space<vmem>>, vector<1x16xi32>,
      %dma_start3A_315 = arith.constant 0 : i32
      %dma_start3A_316 = arith.constant 0 : i32
      %dma_start3A_317 = arith.constant 0 : i32
      %dma_start3A_318 = arith.constant 0 : i32
      %dma_start3A_319 = arith.constant 0 : i32
      %dma_start3A_320 = tpu.memref_slice %arg10[%dma_start3A_315, %dma_start3A_318, %dma_start3A_319] : memref<4x128x128xf32, #tpu.memory_space<vmem>> -> memref<1x128x128xf32, #tpu.memory_space<vmem>>
      %dma_start3A_321 = tpu.memref_squeeze %dma_start3A_320 : memref<1x128x128xf32, #tpu.memory_space<vmem>> -> memref<128x128xf32, #tpu.memory_space<vmem>>
      %dma_start3A_322 = arith.constant 0 : i32
      %dma_start3A_323 = tpu.memref_slice %arg11[%dma_start3A_316, %dma_start3A_322] : memref<4x128xi32, #tpu.memory_space<vmem>> -> memref<1x128xi32, #tpu.memory_space<vmem>>
      %dma_start3A_324 = tpu.memref_squeeze %dma_start3A_323 : memref<1x128xi32, #tpu.memory_space<vmem>> -> memref<128xi32, #tpu.memory_space<vmem>>
      %dma_start3A_325 = arith.constant 0 : i32
      %dma_start3A_326 = arith.constant 0 : i32
      %dma_start3A_327 = tpu.memref_slice %arg12[%dma_start3A_325, %dma_start3A_326] : memref<4096x128xf32, #tpu.memory_space<vmem_shared>> -> memref<4096x128xf32, #tpu.memory_space<vmem_shared>>
      %dma_start3A_328 = tpu.memref_slice %arg14[%dma_start3A_317] : memref<4x!tpu.dma_semaphore, #tpu.memory_space<semaphore_mem>> -> memref<1x!tpu.dma_semaphore, #tpu.memory_space<semaphore_mem>>
      %dma_start3A_329 = tpu.memref_squeeze %dma_start3A_328 : memref<1x!tpu.dma_semaphore, #tpu.memory_space<semaphore_mem>> -> memref<!tpu.dma_semaphore, #tpu.memory_space<semaphore_mem>>
      tpu.enqueue_indirect_dma source(%dma_start3A_321 : memref<128x128xf32, #tpu.memory_space<vmem>>) target(%dma_start3A_327 : memref<4096x128xf32, #tpu.memory_space<vmem_shared>>) offsets(%dma_start3A_324 : memref<128xi32, #tpu.memory_space<vmem>>) semaphore(%dma_start3A_329 : memref<!tpu.dma_semaphore, #tpu.memory_space<semaphore_mem>>) {add = true}
      %mul3A_330 = arith.constant 4 : i32
      %mul3A_331 = arith.muli %mul3A_330, %scan3A_195 : i32
      %add3A_332 = arith.constant 1 : i32
      %add3A_333 = arith.addi %mul3A_331, %add3A_332 : i32
      %mul3A_334 = arith.constant 128 : i32
      %mul3A_335 = arith.muli %add3A_333, %mul3A_334 : i32
      %multiple_of3A_336 = tpu.assume_multiple %mul3A_335, 128 : i32
      %dma_wait3A_337 = arith.constant 1 : i32
      %dma_wait3A_338 = arith.constant 1 : i32
      %dma_wait3A_339 = arith.constant 0 : i32
      %dma_wait3A_340 = arith.constant 0 : i32
      %dma_wait3A_341 = tpu.memref_slice %arg10[%dma_wait3A_337, %dma_wait3A_339, %dma_wait3A_340] : memref<4x128x128xf32, #tpu.memory_space<vmem>> -> memref<1x128x128xf32, #tpu.memory_space<vmem>>
      %dma_wait3A_342 = tpu.memref_squeeze %dma_wait3A_341 : memref<1x128x128xf32, #tpu.memory_space<vmem>> -> memref<128x128xf32, #tpu.memory_space<vmem>>
      %dma_wait3A_343 = tpu.memref_slice %arg8[%multiple_of3A_336] : memref<16384xi32, #tpu.memory_space<vmem>> -> memref<128xi32, #tpu.memory_space<vmem>>
      %dma_wait3A_344 = arith.constant 0 : i32
      %dma_wait3A_345 = arith.constant 0 : i32
      %dma_wait3A_346 = tpu.memref_slice %arg2[%dma_wait3A_344, %dma_wait3A_345] : memref<100000x128xf32, #tpu.memory_space<hbm>> -> memref<100000x128xf32, #tpu.memory_space<hbm>>
      %dma_wait3A_347 = tpu.memref_slice %arg13[%dma_wait3A_338] : memref<4x!tpu.dma_semaphore, #tpu.memory_space<semaphore_mem>> -> memref<1x!tpu.dma_semaphore, #tpu.memory_space<semaphore_mem>>
      %dma_wait3A_348 = tpu.memref_squeeze %dma_wait3A_347 : memref<1x!tpu.dma_semaphore, #tpu.memory_space<semaphore_mem>> -> memref<!tpu.dma_semaphore, #tpu.memory_space<semaphore_mem>>
      tpu.wait_indirect_dma semaphore(%dma_wait3A_348 : memref<!tpu.dma_semaphore, #tpu.memory_space<semaphore_mem>>) src(%dma_wait3A_346 : memref<100000x128xf32, #tpu.memory_space<hbm>>) dst(%dma_wait3A_342 : memref<128x128xf32, #tpu.memory_space<vmem>>)
      %mul3A_349 = arith.constant 256 : i32
      %mul3A_350 = arith.muli %arg1, %mul3A_349 : i32
      %mul3A_351 = arith.constant 4 : i32
      %mul3A_352 = arith.muli %add3A_333, %mul3A_351 : i32
      %and3A_353 = arith.constant 255 : i32
      %and3A_354 = arith.andi %mul3A_352, %and3A_353 : i32
      %add3A_355 = arith.addi %mul3A_350, %and3A_354 : i32
      %broadcast_in_dim3A_356 = arith.constant 0 : i32
      %broadcast_in_dim3A_357 = vector.broadcast %broadcast_in_dim3A_356 : i32 to vector<16xi32>
      %add3A_358 = arith.constant 0 : i32
      %add3A_359 = arith.addi %add3A_355, %add3A_358 : i32
      %add3A_360 = vector.broadcast %add3A_359 : i32 to vector<16xi32>
      %add3A_361 = arith.addi %broadcast_in_dim3A_357, %add3A_360 : vector<16xi32>
      %swap3A_362 = arith.constant 1 : i32
      %swap3A_363 = arith.index_cast %swap3A_362 : i32 to index
      %swap3A_364 = arith.constant 0 : index
      %swap3A_365 = tpu.vector_load %arg11[%swap3A_363, %swap3A_364] {strides = array<i32>} : memref<4x128xi32, #tpu.memory_space<vmem>>, vector<1x16xi32>,
      %swap3A_366 = vector.shape_cast %swap3A_365 : vector<1x16xi32> to vector<16xi32>
      %swap3A_367 = vector.shape_cast %add3A_361 : vector<16xi32> to vector<1x16xi32>
      tpu.vector_store %arg11[%swap3A_363, %swap3A_364], %swap3A_367 {strides = array<i32>} : memref<4x128xi32, #tpu.memory_space<vmem>>, vector<1x16xi32>,
      %broadcast_in_dim3A_368 = arith.constant 0 : i32
      %broadcast_in_dim3A_369 = vector.broadcast %broadcast_in_dim3A_368 : i32 to vector<16xi32>
      %add3A_370 = arith.constant 0 : i32
      %add3A_371 = arith.addi %add3A_355, %add3A_370 : i32
      %add3A_372 = vector.broadcast %add3A_371 : i32 to vector<16xi32>
      %add3A_373 = arith.addi %broadcast_in_dim3A_369, %add3A_372 : vector<16xi32>
      %swap3A_374 = arith.constant 1 : i32
      %swap3A_375 = arith.index_cast %swap3A_374 : i32 to index
      %swap3A_376 = arith.constant 16 : index
      %swap3A_377 = tpu.vector_load %arg11[%swap3A_375, %swap3A_376] {strides = array<i32>} : memref<4x128xi32, #tpu.memory_space<vmem>>, vector<1x16xi32>,
      %swap3A_378 = vector.shape_cast %swap3A_377 : vector<1x16xi32> to vector<16xi32>
      %swap3A_379 = vector.shape_cast %add3A_373 : vector<16xi32> to vector<1x16xi32>
      tpu.vector_store %arg11[%swap3A_375, %swap3A_376], %swap3A_379 {strides = array<i32>} : memref<4x128xi32, #tpu.memory_space<vmem>>, vector<1x16xi32>,
      %broadcast_in_dim3A_380 = arith.constant 0 : i32
      %broadcast_in_dim3A_381 = vector.broadcast %broadcast_in_dim3A_380 : i32 to vector<16xi32>
      %add3A_382 = arith.constant 1 : i32
      %add3A_383 = arith.addi %add3A_355, %add3A_382 : i32
      %add3A_384 = vector.broadcast %add3A_383 : i32 to vector<16xi32>
      %add3A_385 = arith.addi %broadcast_in_dim3A_381, %add3A_384 : vector<16xi32>
      %swap3A_386 = arith.constant 1 : i32
      %swap3A_387 = arith.index_cast %swap3A_386 : i32 to index
      %swap3A_388 = arith.constant 32 : index
      %swap3A_389 = tpu.vector_load %arg11[%swap3A_387, %swap3A_388] {strides = array<i32>} : memref<4x128xi32, #tpu.memory_space<vmem>>, vector<1x16xi32>,
      %swap3A_390 = vector.shape_cast %swap3A_389 : vector<1x16xi32> to vector<16xi32>
      %swap3A_391 = vector.shape_cast %add3A_385 : vector<16xi32> to vector<1x16xi32>
      tpu.vector_store %arg11[%swap3A_387, %swap3A_388], %swap3A_391 {strides = array<i32>} : memref<4x128xi32, #tpu.memory_space<vmem>>, vector<1x16xi32>,
      %broadcast_in_dim3A_392 = arith.constant 0 : i32
      %broadcast_in_dim3A_393 = vector.broadcast %broadcast_in_dim3A_392 : i32 to vector<16xi32>
      %add3A_394 = arith.constant 1 : i32
      %add3A_395 = arith.addi %add3A_355, %add3A_394 : i32
      %add3A_396 = vector.broadcast %add3A_395 : i32 to vector<16xi32>
      %add3A_397 = arith.addi %broadcast_in_dim3A_393, %add3A_396 : vector<16xi32>
      %swap3A_398 = arith.constant 1 : i32
      %swap3A_399 = arith.index_cast %swap3A_398 : i32 to index
      %swap3A_400 = arith.constant 48 : index
      %swap3A_401 = tpu.vector_load %arg11[%swap3A_399, %swap3A_400] {strides = array<i32>} : memref<4x128xi32, #tpu.memory_space<vmem>>, vector<1x16xi32>,
      %swap3A_402 = vector.shape_cast %swap3A_401 : vector<1x16xi32> to vector<16xi32>
      %swap3A_403 = vector.shape_cast %add3A_397 : vector<16xi32> to vector<1x16xi32>
      tpu.vector_store %arg11[%swap3A_399, %swap3A_400], %swap3A_403 {strides = array<i32>} : memref<4x128xi32, #tpu.memory_space<vmem>>, vector<1x16xi32>,
      %broadcast_in_dim3A_404 = arith.constant 0 : i32
      %broadcast_in_dim3A_405 = vector.broadcast %broadcast_in_dim3A_404 : i32 to vector<16xi32>
      %add3A_406 = arith.constant 2 : i32
      %add3A_407 = arith.addi %add3A_355, %add3A_406 : i32
      %add3A_408 = vector.broadcast %add3A_407 : i32 to vector<16xi32>
      %add3A_409 = arith.addi %broadcast_in_dim3A_405, %add3A_408 : vector<16xi32>
      %swap3A_410 = arith.constant 1 : i32
      %swap3A_411 = arith.index_cast %swap3A_410 : i32 to index
      %swap3A_412 = arith.constant 64 : index
      %swap3A_413 = tpu.vector_load %arg11[%swap3A_411, %swap3A_412] {strides = array<i32>} : memref<4x128xi32, #tpu.memory_space<vmem>>, vector<1x16xi32>,
      %swap3A_414 = vector.shape_cast %swap3A_413 : vector<1x16xi32> to vector<16xi32>
      %swap3A_415 = vector.shape_cast %add3A_409 : vector<16xi32> to vector<1x16xi32>
      tpu.vector_store %arg11[%swap3A_411, %swap3A_412], %swap3A_415 {strides = array<i32>} : memref<4x128xi32, #tpu.memory_space<vmem>>, vector<1x16xi32>,
      %broadcast_in_dim3A_416 = arith.constant 0 : i32
      %broadcast_in_dim3A_417 = vector.broadcast %broadcast_in_dim3A_416 : i32 to vector<16xi32>
      %add3A_418 = arith.constant 2 : i32
      %add3A_419 = arith.addi %add3A_355, %add3A_418 : i32
      %add3A_420 = vector.broadcast %add3A_419 : i32 to vector<16xi32>
      %add3A_421 = arith.addi %broadcast_in_dim3A_417, %add3A_420 : vector<16xi32>
      %swap3A_422 = arith.constant 1 : i32
      %swap3A_423 = arith.index_cast %swap3A_422 : i32 to index
      %swap3A_424 = arith.constant 80 : index
      %swap3A_425 = tpu.vector_load %arg11[%swap3A_423, %swap3A_424] {strides = array<i32>} : memref<4x128xi32, #tpu.memory_space<vmem>>, vector<1x16xi32>,
      %swap3A_426 = vector.shape_cast %swap3A_425 : vector<1x16xi32> to vector<16xi32>
      %swap3A_427 = vector.shape_cast %add3A_421 : vector<16xi32> to vector<1x16xi32>
      tpu.vector_store %arg11[%swap3A_423, %swap3A_424], %swap3A_427 {strides = array<i32>} : memref<4x128xi32, #tpu.memory_space<vmem>>, vector<1x16xi32>,
      %broadcast_in_dim3A_428 = arith.constant 0 : i32
      %broadcast_in_dim3A_429 = vector.broadcast %broadcast_in_dim3A_428 : i32 to vector<16xi32>
      %add3A_430 = arith.constant 3 : i32
      %add3A_431 = arith.addi %add3A_355, %add3A_430 : i32
      %add3A_432 = vector.broadcast %add3A_431 : i32 to vector<16xi32>
      %add3A_433 = arith.addi %broadcast_in_dim3A_429, %add3A_432 : vector<16xi32>
      %swap3A_434 = arith.constant 1 : i32
      %swap3A_435 = arith.index_cast %swap3A_434 : i32 to index
      %swap3A_436 = arith.constant 96 : index
      %swap3A_437 = tpu.vector_load %arg11[%swap3A_435, %swap3A_436] {strides = array<i32>} : memref<4x128xi32, #tpu.memory_space<vmem>>, vector<1x16xi32>,
      %swap3A_438 = vector.shape_cast %swap3A_437 : vector<1x16xi32> to vector<16xi32>
      %swap3A_439 = vector.shape_cast %add3A_433 : vector<16xi32> to vector<1x16xi32>
      tpu.vector_store %arg11[%swap3A_435, %swap3A_436], %swap3A_439 {strides = array<i32>} : memref<4x128xi32, #tpu.memory_space<vmem>>, vector<1x16xi32>,
      %broadcast_in_dim3A_440 = arith.constant 0 : i32
      %broadcast_in_dim3A_441 = vector.broadcast %broadcast_in_dim3A_440 : i32 to vector<16xi32>
      %add3A_442 = arith.constant 3 : i32
      %add3A_443 = arith.addi %add3A_355, %add3A_442 : i32
      %add3A_444 = vector.broadcast %add3A_443 : i32 to vector<16xi32>
      %add3A_445 = arith.addi %broadcast_in_dim3A_441, %add3A_444 : vector<16xi32>
      %swap3A_446 = arith.constant 1 : i32
      %swap3A_447 = arith.index_cast %swap3A_446 : i32 to index
      %swap3A_448 = arith.constant 112 : index
      %swap3A_449 = tpu.vector_load %arg11[%swap3A_447, %swap3A_448] {strides = array<i32>} : memref<4x128xi32, #tpu.memory_space<vmem>>, vector<1x16xi32>,
      %swap3A_450 = vector.shape_cast %swap3A_449 : vector<1x16xi32> to vector<16xi32>
      %swap3A_451 = vector.shape_cast %add3A_445 : vector<16xi32> to vector<1x16xi32>
      tpu.vector_store %arg11[%swap3A_447, %swap3A_448], %swap3A_451 {strides = array<i32>} : memref<4x128xi32, #tpu.memory_space<vmem>>, vector<1x16xi32>,
      %dma_start3A_452 = arith.constant 1 : i32
      %dma_start3A_453 = arith.constant 1 : i32
      %dma_start3A_454 = arith.constant 1 : i32
      %dma_start3A_455 = arith.constant 0 : i32
      %dma_start3A_456 = arith.constant 0 : i32
      %dma_start3A_457 = tpu.memref_slice %arg10[%dma_start3A_452, %dma_start3A_455, %dma_start3A_456] : memref<4x128x128xf32, #tpu.memory_space<vmem>> -> memref<1x128x128xf32, #tpu.memory_space<vmem>>
      %dma_start3A_458 = tpu.memref_squeeze %dma_start3A_457 : memref<1x128x128xf32, #tpu.memory_space<vmem>> -> memref<128x128xf32, #tpu.memory_space<vmem>>
      %dma_start3A_459 = arith.constant 0 : i32
      %dma_start3A_460 = tpu.memref_slice %arg11[%dma_start3A_453, %dma_start3A_459] : memref<4x128xi32, #tpu.memory_space<vmem>> -> memref<1x128xi32, #tpu.memory_space<vmem>>
      %dma_start3A_461 = tpu.memref_squeeze %dma_start3A_460 : memref<1x128xi32, #tpu.memory_space<vmem>> -> memref<128xi32, #tpu.memory_space<vmem>>
      %dma_start3A_462 = arith.constant 0 : i32
      %dma_start3A_463 = arith.constant 0 : i32
      %dma_start3A_464 = tpu.memref_slice %arg12[%dma_start3A_462, %dma_start3A_463] : memref<4096x128xf32, #tpu.memory_space<vmem_shared>> -> memref<4096x128xf32, #tpu.memory_space<vmem_shared>>
      %dma_start3A_465 = tpu.memref_slice %arg14[%dma_start3A_454] : memref<4x!tpu.dma_semaphore, #tpu.memory_space<semaphore_mem>> -> memref<1x!tpu.dma_semaphore, #tpu.memory_space<semaphore_mem>>
      %dma_start3A_466 = tpu.memref_squeeze %dma_start3A_465 : memref<1x!tpu.dma_semaphore, #tpu.memory_space<semaphore_mem>> -> memref<!tpu.dma_semaphore, #tpu.memory_space<semaphore_mem>>
      tpu.enqueue_indirect_dma source(%dma_start3A_458 : memref<128x128xf32, #tpu.memory_space<vmem>>) target(%dma_start3A_464 : memref<4096x128xf32, #tpu.memory_space<vmem_shared>>) offsets(%dma_start3A_461 : memref<128xi32, #tpu.memory_space<vmem>>) semaphore(%dma_start3A_466 : memref<!tpu.dma_semaphore, #tpu.memory_space<semaphore_mem>>) {add = true}
      %mul3A_467 = arith.constant 4 : i32
      %mul3A_468 = arith.muli %mul3A_467, %scan3A_195 : i32
      %add3A_469 = arith.constant 2 : i32
      %add3A_470 = arith.addi %mul3A_468, %add3A_469 : i32
      %mul3A_471 = arith.constant 128 : i32
      %mul3A_472 = arith.muli %add3A_470, %mul3A_471 : i32
      %multiple_of3A_473 = tpu.assume_multiple %mul3A_472, 128 : i32
      %dma_wait3A_474 = arith.constant 2 : i32
      %dma_wait3A_475 = arith.constant 2 : i32
      %dma_wait3A_476 = arith.constant 0 : i32
      %dma_wait3A_477 = arith.constant 0 : i32
      %dma_wait3A_478 = tpu.memref_slice %arg10[%dma_wait3A_474, %dma_wait3A_476, %dma_wait3A_477] : memref<4x128x128xf32, #tpu.memory_space<vmem>> -> memref<1x128x128xf32, #tpu.memory_space<vmem>>
      %dma_wait3A_479 = tpu.memref_squeeze %dma_wait3A_478 : memref<1x128x128xf32, #tpu.memory_space<vmem>> -> memref<128x128xf32, #tpu.memory_space<vmem>>
      %dma_wait3A_480 = tpu.memref_slice %arg8[%multiple_of3A_473] : memref<16384xi32, #tpu.memory_space<vmem>> -> memref<128xi32, #tpu.memory_space<vmem>>
      %dma_wait3A_481 = arith.constant 0 : i32
      %dma_wait3A_482 = arith.constant 0 : i32
      %dma_wait3A_483 = tpu.memref_slice %arg2[%dma_wait3A_481, %dma_wait3A_482] : memref<100000x128xf32, #tpu.memory_space<hbm>> -> memref<100000x128xf32, #tpu.memory_space<hbm>>
      %dma_wait3A_484 = tpu.memref_slice %arg13[%dma_wait3A_475] : memref<4x!tpu.dma_semaphore, #tpu.memory_space<semaphore_mem>> -> memref<1x!tpu.dma_semaphore, #tpu.memory_space<semaphore_mem>>
      %dma_wait3A_485 = tpu.memref_squeeze %dma_wait3A_484 : memref<1x!tpu.dma_semaphore, #tpu.memory_space<semaphore_mem>> -> memref<!tpu.dma_semaphore, #tpu.memory_space<semaphore_mem>>
      tpu.wait_indirect_dma semaphore(%dma_wait3A_485 : memref<!tpu.dma_semaphore, #tpu.memory_space<semaphore_mem>>) src(%dma_wait3A_483 : memref<100000x128xf32, #tpu.memory_space<hbm>>) dst(%dma_wait3A_479 : memref<128x128xf32, #tpu.memory_space<vmem>>)
      %mul3A_486 = arith.constant 256 : i32
      %mul3A_487 = arith.muli %arg1, %mul3A_486 : i32
      %mul3A_488 = arith.constant 4 : i32
      %mul3A_489 = arith.muli %add3A_470, %mul3A_488 : i32
      %and3A_490 = arith.constant 255 : i32
      %and3A_491 = arith.andi %mul3A_489, %and3A_490 : i32
      %add3A_492 = arith.addi %mul3A_487, %and3A_491 : i32
      %broadcast_in_dim3A_493 = arith.constant 0 : i32
      %broadcast_in_dim3A_494 = vector.broadcast %broadcast_in_dim3A_493 : i32 to vector<16xi32>
      %add3A_495 = arith.constant 0 : i32
      %add3A_496 = arith.addi %add3A_492, %add3A_495 : i32
      %add3A_497 = vector.broadcast %add3A_496 : i32 to vector<16xi32>
      %add3A_498 = arith.addi %broadcast_in_dim3A_494, %add3A_497 : vector<16xi32>
      %swap3A_499 = arith.constant 2 : i32
      %swap3A_500 = arith.index_cast %swap3A_499 : i32 to index
      %swap3A_501 = arith.constant 0 : index
      %swap3A_502 = tpu.vector_load %arg11[%swap3A_500, %swap3A_501] {strides = array<i32>} : memref<4x128xi32, #tpu.memory_space<vmem>>, vector<1x16xi32>,
      %swap3A_503 = vector.shape_cast %swap3A_502 : vector<1x16xi32> to vector<16xi32>
      %swap3A_504 = vector.shape_cast %add3A_498 : vector<16xi32> to vector<1x16xi32>
      tpu.vector_store %arg11[%swap3A_500, %swap3A_501], %swap3A_504 {strides = array<i32>} : memref<4x128xi32, #tpu.memory_space<vmem>>, vector<1x16xi32>,
      %broadcast_in_dim3A_505 = arith.constant 0 : i32
      %broadcast_in_dim3A_506 = vector.broadcast %broadcast_in_dim3A_505 : i32 to vector<16xi32>
      %add3A_507 = arith.constant 0 : i32
      %add3A_508 = arith.addi %add3A_492, %add3A_507 : i32
      %add3A_509 = vector.broadcast %add3A_508 : i32 to vector<16xi32>
      %add3A_510 = arith.addi %broadcast_in_dim3A_506, %add3A_509 : vector<16xi32>
      %swap3A_511 = arith.constant 2 : i32
      %swap3A_512 = arith.index_cast %swap3A_511 : i32 to index
      %swap3A_513 = arith.constant 16 : index
      %swap3A_514 = tpu.vector_load %arg11[%swap3A_512, %swap3A_513] {strides = array<i32>} : memref<4x128xi32, #tpu.memory_space<vmem>>, vector<1x16xi32>,
      %swap3A_515 = vector.shape_cast %swap3A_514 : vector<1x16xi32> to vector<16xi32>
      %swap3A_516 = vector.shape_cast %add3A_510 : vector<16xi32> to vector<1x16xi32>
      tpu.vector_store %arg11[%swap3A_512, %swap3A_513], %swap3A_516 {strides = array<i32>} : memref<4x128xi32, #tpu.memory_space<vmem>>, vector<1x16xi32>,
      %broadcast_in_dim3A_517 = arith.constant 0 : i32
      %broadcast_in_dim3A_518 = vector.broadcast %broadcast_in_dim3A_517 : i32 to vector<16xi32>
      %add3A_519 = arith.constant 1 : i32
      %add3A_520 = arith.addi %add3A_492, %add3A_519 : i32
      %add3A_521 = vector.broadcast %add3A_520 : i32 to vector<16xi32>
      %add3A_522 = arith.addi %broadcast_in_dim3A_518, %add3A_521 : vector<16xi32>
      %swap3A_523 = arith.constant 2 : i32
      %swap3A_524 = arith.index_cast %swap3A_523 : i32 to index
      %swap3A_525 = arith.constant 32 : index
      %swap3A_526 = tpu.vector_load %arg11[%swap3A_524, %swap3A_525] {strides = array<i32>} : memref<4x128xi32, #tpu.memory_space<vmem>>, vector<1x16xi32>,
      %swap3A_527 = vector.shape_cast %swap3A_526 : vector<1x16xi32> to vector<16xi32>
      %swap3A_528 = vector.shape_cast %add3A_522 : vector<16xi32> to vector<1x16xi32>
      tpu.vector_store %arg11[%swap3A_524, %swap3A_525], %swap3A_528 {strides = array<i32>} : memref<4x128xi32, #tpu.memory_space<vmem>>, vector<1x16xi32>,
      %broadcast_in_dim3A_529 = arith.constant 0 : i32
      %broadcast_in_dim3A_530 = vector.broadcast %broadcast_in_dim3A_529 : i32 to vector<16xi32>
      %add3A_531 = arith.constant 1 : i32
      %add3A_532 = arith.addi %add3A_492, %add3A_531 : i32
      %add3A_533 = vector.broadcast %add3A_532 : i32 to vector<16xi32>
      %add3A_534 = arith.addi %broadcast_in_dim3A_530, %add3A_533 : vector<16xi32>
      %swap3A_535 = arith.constant 2 : i32
      %swap3A_536 = arith.index_cast %swap3A_535 : i32 to index
      %swap3A_537 = arith.constant 48 : index
      %swap3A_538 = tpu.vector_load %arg11[%swap3A_536, %swap3A_537] {strides = array<i32>} : memref<4x128xi32, #tpu.memory_space<vmem>>, vector<1x16xi32>,
      %swap3A_539 = vector.shape_cast %swap3A_538 : vector<1x16xi32> to vector<16xi32>
      %swap3A_540 = vector.shape_cast %add3A_534 : vector<16xi32> to vector<1x16xi32>
      tpu.vector_store %arg11[%swap3A_536, %swap3A_537], %swap3A_540 {strides = array<i32>} : memref<4x128xi32, #tpu.memory_space<vmem>>, vector<1x16xi32>,
      %broadcast_in_dim3A_541 = arith.constant 0 : i32
      %broadcast_in_dim3A_542 = vector.broadcast %broadcast_in_dim3A_541 : i32 to vector<16xi32>
      %add3A_543 = arith.constant 2 : i32
      %add3A_544 = arith.addi %add3A_492, %add3A_543 : i32
      %add3A_545 = vector.broadcast %add3A_544 : i32 to vector<16xi32>
      %add3A_546 = arith.addi %broadcast_in_dim3A_542, %add3A_545 : vector<16xi32>
      %swap3A_547 = arith.constant 2 : i32
      %swap3A_548 = arith.index_cast %swap3A_547 : i32 to index
      %swap3A_549 = arith.constant 64 : index
      %swap3A_550 = tpu.vector_load %arg11[%swap3A_548, %swap3A_549] {strides = array<i32>} : memref<4x128xi32, #tpu.memory_space<vmem>>, vector<1x16xi32>,
      %swap3A_551 = vector.shape_cast %swap3A_550 : vector<1x16xi32> to vector<16xi32>
      %swap3A_552 = vector.shape_cast %add3A_546 : vector<16xi32> to vector<1x16xi32>
      tpu.vector_store %arg11[%swap3A_548, %swap3A_549], %swap3A_552 {strides = array<i32>} : memref<4x128xi32, #tpu.memory_space<vmem>>, vector<1x16xi32>,
      %broadcast_in_dim3A_553 = arith.constant 0 : i32
      %broadcast_in_dim3A_554 = vector.broadcast %broadcast_in_dim3A_553 : i32 to vector<16xi32>
      %add3A_555 = arith.constant 2 : i32
      %add3A_556 = arith.addi %add3A_492, %add3A_555 : i32
      %add3A_557 = vector.broadcast %add3A_556 : i32 to vector<16xi32>
      %add3A_558 = arith.addi %broadcast_in_dim3A_554, %add3A_557 : vector<16xi32>
      %swap3A_559 = arith.constant 2 : i32
      %swap3A_560 = arith.index_cast %swap3A_559 : i32 to index
      %swap3A_561 = arith.constant 80 : index
      %swap3A_562 = tpu.vector_load %arg11[%swap3A_560, %swap3A_561] {strides = array<i32>} : memref<4x128xi32, #tpu.memory_space<vmem>>, vector<1x16xi32>,
      %swap3A_563 = vector.shape_cast %swap3A_562 : vector<1x16xi32> to vector<16xi32>
      %swap3A_564 = vector.shape_cast %add3A_558 : vector<16xi32> to vector<1x16xi32>
      tpu.vector_store %arg11[%swap3A_560, %swap3A_561], %swap3A_564 {strides = array<i32>} : memref<4x128xi32, #tpu.memory_space<vmem>>, vector<1x16xi32>,
      %broadcast_in_dim3A_565 = arith.constant 0 : i32
      %broadcast_in_dim3A_566 = vector.broadcast %broadcast_in_dim3A_565 : i32 to vector<16xi32>
      %add3A_567 = arith.constant 3 : i32
      %add3A_568 = arith.addi %add3A_492, %add3A_567 : i32
      %add3A_569 = vector.broadcast %add3A_568 : i32 to vector<16xi32>
      %add3A_570 = arith.addi %broadcast_in_dim3A_566, %add3A_569 : vector<16xi32>
      %swap3A_571 = arith.constant 2 : i32
      %swap3A_572 = arith.index_cast %swap3A_571 : i32 to index
      %swap3A_573 = arith.constant 96 : index
      %swap3A_574 = tpu.vector_load %arg11[%swap3A_572, %swap3A_573] {strides = array<i32>} : memref<4x128xi32, #tpu.memory_space<vmem>>, vector<1x16xi32>,
      %swap3A_575 = vector.shape_cast %swap3A_574 : vector<1x16xi32> to vector<16xi32>
      %swap3A_576 = vector.shape_cast %add3A_570 : vector<16xi32> to vector<1x16xi32>
      tpu.vector_store %arg11[%swap3A_572, %swap3A_573], %swap3A_576 {strides = array<i32>} : memref<4x128xi32, #tpu.memory_space<vmem>>, vector<1x16xi32>,
      %broadcast_in_dim3A_577 = arith.constant 0 : i32
      %broadcast_in_dim3A_578 = vector.broadcast %broadcast_in_dim3A_577 : i32 to vector<16xi32>
      %add3A_579 = arith.constant 3 : i32
      %add3A_580 = arith.addi %add3A_492, %add3A_579 : i32
      %add3A_581 = vector.broadcast %add3A_580 : i32 to vector<16xi32>
      %add3A_582 = arith.addi %broadcast_in_dim3A_578, %add3A_581 : vector<16xi32>
      %swap3A_583 = arith.constant 2 : i32
      %swap3A_584 = arith.index_cast %swap3A_583 : i32 to index
      %swap3A_585 = arith.constant 112 : index
      %swap3A_586 = tpu.vector_load %arg11[%swap3A_584, %swap3A_585] {strides = array<i32>} : memref<4x128xi32, #tpu.memory_space<vmem>>, vector<1x16xi32>,
      %swap3A_587 = vector.shape_cast %swap3A_586 : vector<1x16xi32> to vector<16xi32>
      %swap3A_588 = vector.shape_cast %add3A_582 : vector<16xi32> to vector<1x16xi32>
      tpu.vector_store %arg11[%swap3A_584, %swap3A_585], %swap3A_588 {strides = array<i32>} : memref<4x128xi32, #tpu.memory_space<vmem>>, vector<1x16xi32>,
      %dma_start3A_589 = arith.constant 2 : i32
      %dma_start3A_590 = arith.constant 2 : i32
      %dma_start3A_591 = arith.constant 2 : i32
      %dma_start3A_592 = arith.constant 0 : i32
      %dma_start3A_593 = arith.constant 0 : i32
      %dma_start3A_594 = tpu.memref_slice %arg10[%dma_start3A_589, %dma_start3A_592, %dma_start3A_593] : memref<4x128x128xf32, #tpu.memory_space<vmem>> -> memref<1x128x128xf32, #tpu.memory_space<vmem>>
      %dma_start3A_595 = tpu.memref_squeeze %dma_start3A_594 : memref<1x128x128xf32, #tpu.memory_space<vmem>> -> memref<128x128xf32, #tpu.memory_space<vmem>>
      %dma_start3A_596 = arith.constant 0 : i32
      %dma_start3A_597 = tpu.memref_slice %arg11[%dma_start3A_590, %dma_start3A_596] : memref<4x128xi32, #tpu.memory_space<vmem>> -> memref<1x128xi32, #tpu.memory_space<vmem>>
      %dma_start3A_598 = tpu.memref_squeeze %dma_start3A_597 : memref<1x128xi32, #tpu.memory_space<vmem>> -> memref<128xi32, #tpu.memory_space<vmem>>
      %dma_start3A_599 = arith.constant 0 : i32
      %dma_start3A_600 = arith.constant 0 : i32
      %dma_start3A_601 = tpu.memref_slice %arg12[%dma_start3A_599, %dma_start3A_600] : memref<4096x128xf32, #tpu.memory_space<vmem_shared>> -> memref<4096x128xf32, #tpu.memory_space<vmem_shared>>
      %dma_start3A_602 = tpu.memref_slice %arg14[%dma_start3A_591] : memref<4x!tpu.dma_semaphore, #tpu.memory_space<semaphore_mem>> -> memref<1x!tpu.dma_semaphore, #tpu.memory_space<semaphore_mem>>
      %dma_start3A_603 = tpu.memref_squeeze %dma_start3A_602 : memref<1x!tpu.dma_semaphore, #tpu.memory_space<semaphore_mem>> -> memref<!tpu.dma_semaphore, #tpu.memory_space<semaphore_mem>>
      tpu.enqueue_indirect_dma source(%dma_start3A_595 : memref<128x128xf32, #tpu.memory_space<vmem>>) target(%dma_start3A_601 : memref<4096x128xf32, #tpu.memory_space<vmem_shared>>) offsets(%dma_start3A_598 : memref<128xi32, #tpu.memory_space<vmem>>) semaphore(%dma_start3A_603 : memref<!tpu.dma_semaphore, #tpu.memory_space<semaphore_mem>>) {add = true}
      %mul3A_604 = arith.constant 4 : i32
      %mul3A_605 = arith.muli %mul3A_604, %scan3A_195 : i32
      %add3A_606 = arith.constant 3 : i32
      %add3A_607 = arith.addi %mul3A_605, %add3A_606 : i32
      %mul3A_608 = arith.constant 128 : i32
      %mul3A_609 = arith.muli %add3A_607, %mul3A_608 : i32
      %multiple_of3A_610 = tpu.assume_multiple %mul3A_609, 128 : i32
      %dma_wait3A_611 = arith.constant 3 : i32
      %dma_wait3A_612 = arith.constant 3 : i32
      %dma_wait3A_613 = arith.constant 0 : i32
      %dma_wait3A_614 = arith.constant 0 : i32
      %dma_wait3A_615 = tpu.memref_slice %arg10[%dma_wait3A_611, %dma_wait3A_613, %dma_wait3A_614] : memref<4x128x128xf32, #tpu.memory_space<vmem>> -> memref<1x128x128xf32, #tpu.memory_space<vmem>>
      %dma_wait3A_616 = tpu.memref_squeeze %dma_wait3A_615 : memref<1x128x128xf32, #tpu.memory_space<vmem>> -> memref<128x128xf32, #tpu.memory_space<vmem>>
      %dma_wait3A_617 = tpu.memref_slice %arg8[%multiple_of3A_610] : memref<16384xi32, #tpu.memory_space<vmem>> -> memref<128xi32, #tpu.memory_space<vmem>>
      %dma_wait3A_618 = arith.constant 0 : i32
      %dma_wait3A_619 = arith.constant 0 : i32
      %dma_wait3A_620 = tpu.memref_slice %arg2[%dma_wait3A_618, %dma_wait3A_619] : memref<100000x128xf32, #tpu.memory_space<hbm>> -> memref<100000x128xf32, #tpu.memory_space<hbm>>
      %dma_wait3A_621 = tpu.memref_slice %arg13[%dma_wait3A_612] : memref<4x!tpu.dma_semaphore, #tpu.memory_space<semaphore_mem>> -> memref<1x!tpu.dma_semaphore, #tpu.memory_space<semaphore_mem>>
      %dma_wait3A_622 = tpu.memref_squeeze %dma_wait3A_621 : memref<1x!tpu.dma_semaphore, #tpu.memory_space<semaphore_mem>> -> memref<!tpu.dma_semaphore, #tpu.memory_space<semaphore_mem>>
      tpu.wait_indirect_dma semaphore(%dma_wait3A_622 : memref<!tpu.dma_semaphore, #tpu.memory_space<semaphore_mem>>) src(%dma_wait3A_620 : memref<100000x128xf32, #tpu.memory_space<hbm>>) dst(%dma_wait3A_616 : memref<128x128xf32, #tpu.memory_space<vmem>>)
      %mul3A_623 = arith.constant 256 : i32
      %mul3A_624 = arith.muli %arg1, %mul3A_623 : i32
      %mul3A_625 = arith.constant 4 : i32
      %mul3A_626 = arith.muli %add3A_607, %mul3A_625 : i32
      %and3A_627 = arith.constant 255 : i32
      %and3A_628 = arith.andi %mul3A_626, %and3A_627 : i32
      %add3A_629 = arith.addi %mul3A_624, %and3A_628 : i32
      %broadcast_in_dim3A_630 = arith.constant 0 : i32
      %broadcast_in_dim3A_631 = vector.broadcast %broadcast_in_dim3A_630 : i32 to vector<16xi32>
      %add3A_632 = arith.constant 0 : i32
      %add3A_633 = arith.addi %add3A_629, %add3A_632 : i32
      %add3A_634 = vector.broadcast %add3A_633 : i32 to vector<16xi32>
      %add3A_635 = arith.addi %broadcast_in_dim3A_631, %add3A_634 : vector<16xi32>
      %swap3A_636 = arith.constant 3 : i32
      %swap3A_637 = arith.index_cast %swap3A_636 : i32 to index
      %swap3A_638 = arith.constant 0 : index
      %swap3A_639 = tpu.vector_load %arg11[%swap3A_637, %swap3A_638] {strides = array<i32>} : memref<4x128xi32, #tpu.memory_space<vmem>>, vector<1x16xi32>,
      %swap3A_640 = vector.shape_cast %swap3A_639 : vector<1x16xi32> to vector<16xi32>
      %swap3A_641 = vector.shape_cast %add3A_635 : vector<16xi32> to vector<1x16xi32>
      tpu.vector_store %arg11[%swap3A_637, %swap3A_638], %swap3A_641 {strides = array<i32>} : memref<4x128xi32, #tpu.memory_space<vmem>>, vector<1x16xi32>,
      %broadcast_in_dim3A_642 = arith.constant 0 : i32
      %broadcast_in_dim3A_643 = vector.broadcast %broadcast_in_dim3A_642 : i32 to vector<16xi32>
      %add3A_644 = arith.constant 0 : i32
      %add3A_645 = arith.addi %add3A_629, %add3A_644 : i32
      %add3A_646 = vector.broadcast %add3A_645 : i32 to vector<16xi32>
      %add3A_647 = arith.addi %broadcast_in_dim3A_643, %add3A_646 : vector<16xi32>
      %swap3A_648 = arith.constant 3 : i32
      %swap3A_649 = arith.index_cast %swap3A_648 : i32 to index
      %swap3A_650 = arith.constant 16 : index
      %swap3A_651 = tpu.vector_load %arg11[%swap3A_649, %swap3A_650] {strides = array<i32>} : memref<4x128xi32, #tpu.memory_space<vmem>>, vector<1x16xi32>,
      %swap3A_652 = vector.shape_cast %swap3A_651 : vector<1x16xi32> to vector<16xi32>
      %swap3A_653 = vector.shape_cast %add3A_647 : vector<16xi32> to vector<1x16xi32>
      tpu.vector_store %arg11[%swap3A_649, %swap3A_650], %swap3A_653 {strides = array<i32>} : memref<4x128xi32, #tpu.memory_space<vmem>>, vector<1x16xi32>,
      %broadcast_in_dim3A_654 = arith.constant 0 : i32
      %broadcast_in_dim3A_655 = vector.broadcast %broadcast_in_dim3A_654 : i32 to vector<16xi32>
      %add3A_656 = arith.constant 1 : i32
      %add3A_657 = arith.addi %add3A_629, %add3A_656 : i32
      %add3A_658 = vector.broadcast %add3A_657 : i32 to vector<16xi32>
      %add3A_659 = arith.addi %broadcast_in_dim3A_655, %add3A_658 : vector<16xi32>
      %swap3A_660 = arith.constant 3 : i32
      %swap3A_661 = arith.index_cast %swap3A_660 : i32 to index
      %swap3A_662 = arith.constant 32 : index
      %swap3A_663 = tpu.vector_load %arg11[%swap3A_661, %swap3A_662] {strides = array<i32>} : memref<4x128xi32, #tpu.memory_space<vmem>>, vector<1x16xi32>,
      %swap3A_664 = vector.shape_cast %swap3A_663 : vector<1x16xi32> to vector<16xi32>
      %swap3A_665 = vector.shape_cast %add3A_659 : vector<16xi32> to vector<1x16xi32>
      tpu.vector_store %arg11[%swap3A_661, %swap3A_662], %swap3A_665 {strides = array<i32>} : memref<4x128xi32, #tpu.memory_space<vmem>>, vector<1x16xi32>,
      %broadcast_in_dim3A_666 = arith.constant 0 : i32
      %broadcast_in_dim3A_667 = vector.broadcast %broadcast_in_dim3A_666 : i32 to vector<16xi32>
      %add3A_668 = arith.constant 1 : i32
      %add3A_669 = arith.addi %add3A_629, %add3A_668 : i32
      %add3A_670 = vector.broadcast %add3A_669 : i32 to vector<16xi32>
      %add3A_671 = arith.addi %broadcast_in_dim3A_667, %add3A_670 : vector<16xi32>
      %swap3A_672 = arith.constant 3 : i32
      %swap3A_673 = arith.index_cast %swap3A_672 : i32 to index
      %swap3A_674 = arith.constant 48 : index
      %swap3A_675 = tpu.vector_load %arg11[%swap3A_673, %swap3A_674] {strides = array<i32>} : memref<4x128xi32, #tpu.memory_space<vmem>>, vector<1x16xi32>,
      %swap3A_676 = vector.shape_cast %swap3A_675 : vector<1x16xi32> to vector<16xi32>
      %swap3A_677 = vector.shape_cast %add3A_671 : vector<16xi32> to vector<1x16xi32>
      tpu.vector_store %arg11[%swap3A_673, %swap3A_674], %swap3A_677 {strides = array<i32>} : memref<4x128xi32, #tpu.memory_space<vmem>>, vector<1x16xi32>,
      %broadcast_in_dim3A_678 = arith.constant 0 : i32
      %broadcast_in_dim3A_679 = vector.broadcast %broadcast_in_dim3A_678 : i32 to vector<16xi32>
      %add3A_680 = arith.constant 2 : i32
      %add3A_681 = arith.addi %add3A_629, %add3A_680 : i32
      %add3A_682 = vector.broadcast %add3A_681 : i32 to vector<16xi32>
      %add3A_683 = arith.addi %broadcast_in_dim3A_679, %add3A_682 : vector<16xi32>
      %swap3A_684 = arith.constant 3 : i32
      %swap3A_685 = arith.index_cast %swap3A_684 : i32 to index
      %swap3A_686 = arith.constant 64 : index
      %swap3A_687 = tpu.vector_load %arg11[%swap3A_685, %swap3A_686] {strides = array<i32>} : memref<4x128xi32, #tpu.memory_space<vmem>>, vector<1x16xi32>,
      %swap3A_688 = vector.shape_cast %swap3A_687 : vector<1x16xi32> to vector<16xi32>
      %swap3A_689 = vector.shape_cast %add3A_683 : vector<16xi32> to vector<1x16xi32>
      tpu.vector_store %arg11[%swap3A_685, %swap3A_686], %swap3A_689 {strides = array<i32>} : memref<4x128xi32, #tpu.memory_space<vmem>>, vector<1x16xi32>,
      %broadcast_in_dim3A_690 = arith.constant 0 : i32
      %broadcast_in_dim3A_691 = vector.broadcast %broadcast_in_dim3A_690 : i32 to vector<16xi32>
      %add3A_692 = arith.constant 2 : i32
      %add3A_693 = arith.addi %add3A_629, %add3A_692 : i32
      %add3A_694 = vector.broadcast %add3A_693 : i32 to vector<16xi32>
      %add3A_695 = arith.addi %broadcast_in_dim3A_691, %add3A_694 : vector<16xi32>
      %swap3A_696 = arith.constant 3 : i32
      %swap3A_697 = arith.index_cast %swap3A_696 : i32 to index
      %swap3A_698 = arith.constant 80 : index
      %swap3A_699 = tpu.vector_load %arg11[%swap3A_697, %swap3A_698] {strides = array<i32>} : memref<4x128xi32, #tpu.memory_space<vmem>>, vector<1x16xi32>,
      %swap3A_700 = vector.shape_cast %swap3A_699 : vector<1x16xi32> to vector<16xi32>
      %swap3A_701 = vector.shape_cast %add3A_695 : vector<16xi32> to vector<1x16xi32>
      tpu.vector_store %arg11[%swap3A_697, %swap3A_698], %swap3A_701 {strides = array<i32>} : memref<4x128xi32, #tpu.memory_space<vmem>>, vector<1x16xi32>,
      %broadcast_in_dim3A_702 = arith.constant 0 : i32
      %broadcast_in_dim3A_703 = vector.broadcast %broadcast_in_dim3A_702 : i32 to vector<16xi32>
      %add3A_704 = arith.constant 3 : i32
      %add3A_705 = arith.addi %add3A_629, %add3A_704 : i32
      %add3A_706 = vector.broadcast %add3A_705 : i32 to vector<16xi32>
      %add3A_707 = arith.addi %broadcast_in_dim3A_703, %add3A_706 : vector<16xi32>
      %swap3A_708 = arith.constant 3 : i32
      %swap3A_709 = arith.index_cast %swap3A_708 : i32 to index
      %swap3A_710 = arith.constant 96 : index
      %swap3A_711 = tpu.vector_load %arg11[%swap3A_709, %swap3A_710] {strides = array<i32>} : memref<4x128xi32, #tpu.memory_space<vmem>>, vector<1x16xi32>,
      %swap3A_712 = vector.shape_cast %swap3A_711 : vector<1x16xi32> to vector<16xi32>
      %swap3A_713 = vector.shape_cast %add3A_707 : vector<16xi32> to vector<1x16xi32>
      tpu.vector_store %arg11[%swap3A_709, %swap3A_710], %swap3A_713 {strides = array<i32>} : memref<4x128xi32, #tpu.memory_space<vmem>>, vector<1x16xi32>,
      %broadcast_in_dim3A_714 = arith.constant 0 : i32
      %broadcast_in_dim3A_715 = vector.broadcast %broadcast_in_dim3A_714 : i32 to vector<16xi32>
      %add3A_716 = arith.constant 3 : i32
      %add3A_717 = arith.addi %add3A_629, %add3A_716 : i32
      %add3A_718 = vector.broadcast %add3A_717 : i32 to vector<16xi32>
      %add3A_719 = arith.addi %broadcast_in_dim3A_715, %add3A_718 : vector<16xi32>
      %swap3A_720 = arith.constant 3 : i32
      %swap3A_721 = arith.index_cast %swap3A_720 : i32 to index
      %swap3A_722 = arith.constant 112 : index
      %swap3A_723 = tpu.vector_load %arg11[%swap3A_721, %swap3A_722] {strides = array<i32>} : memref<4x128xi32, #tpu.memory_space<vmem>>, vector<1x16xi32>,
      %swap3A_724 = vector.shape_cast %swap3A_723 : vector<1x16xi32> to vector<16xi32>
      %swap3A_725 = vector.shape_cast %add3A_719 : vector<16xi32> to vector<1x16xi32>
      tpu.vector_store %arg11[%swap3A_721, %swap3A_722], %swap3A_725 {strides = array<i32>} : memref<4x128xi32, #tpu.memory_space<vmem>>, vector<1x16xi32>,
      %dma_start3A_726 = arith.constant 3 : i32
      %dma_start3A_727 = arith.constant 3 : i32
      %dma_start3A_728 = arith.constant 3 : i32
      %dma_start3A_729 = arith.constant 0 : i32
      %dma_start3A_730 = arith.constant 0 : i32
      %dma_start3A_731 = tpu.memref_slice %arg10[%dma_start3A_726, %dma_start3A_729, %dma_start3A_730] : memref<4x128x128xf32, #tpu.memory_space<vmem>> -> memref<1x128x128xf32, #tpu.memory_space<vmem>>
      %dma_start3A_732 = tpu.memref_squeeze %dma_start3A_731 : memref<1x128x128xf32, #tpu.memory_space<vmem>> -> memref<128x128xf32, #tpu.memory_space<vmem>>
      %dma_start3A_733 = arith.constant 0 : i32
      %dma_start3A_734 = tpu.memref_slice %arg11[%dma_start3A_727, %dma_start3A_733] : memref<4x128xi32, #tpu.memory_space<vmem>> -> memref<1x128xi32, #tpu.memory_space<vmem>>
      %dma_start3A_735 = tpu.memref_squeeze %dma_start3A_734 : memref<1x128xi32, #tpu.memory_space<vmem>> -> memref<128xi32, #tpu.memory_space<vmem>>
      %dma_start3A_736 = arith.constant 0 : i32
      %dma_start3A_737 = arith.constant 0 : i32
      %dma_start3A_738 = tpu.memref_slice %arg12[%dma_start3A_736, %dma_start3A_737] : memref<4096x128xf32, #tpu.memory_space<vmem_shared>> -> memref<4096x128xf32, #tpu.memory_space<vmem_shared>>
      %dma_start3A_739 = tpu.memref_slice %arg14[%dma_start3A_728] : memref<4x!tpu.dma_semaphore, #tpu.memory_space<semaphore_mem>> -> memref<1x!tpu.dma_semaphore, #tpu.memory_space<semaphore_mem>>
      %dma_start3A_740 = tpu.memref_squeeze %dma_start3A_739 : memref<1x!tpu.dma_semaphore, #tpu.memory_space<semaphore_mem>> -> memref<!tpu.dma_semaphore, #tpu.memory_space<semaphore_mem>>
      tpu.enqueue_indirect_dma source(%dma_start3A_732 : memref<128x128xf32, #tpu.memory_space<vmem>>) target(%dma_start3A_738 : memref<4096x128xf32, #tpu.memory_space<vmem_shared>>) offsets(%dma_start3A_735 : memref<128xi32, #tpu.memory_space<vmem>>) semaphore(%dma_start3A_740 : memref<!tpu.dma_semaphore, #tpu.memory_space<semaphore_mem>>) {add = true}
      %dma_wait3A_741 = arith.constant 0 : i32
      %dma_wait3A_742 = arith.constant 0 : i32
      %dma_wait3A_743 = arith.constant 0 : i32
      %dma_wait3A_744 = arith.constant 0 : i32
      %dma_wait3A_745 = arith.constant 0 : i32
      %dma_wait3A_746 = tpu.memref_slice %arg10[%dma_wait3A_741, %dma_wait3A_744, %dma_wait3A_745] : memref<4x128x128xf32, #tpu.memory_space<vmem>> -> memref<1x128x128xf32, #tpu.memory_space<vmem>>
      %dma_wait3A_747 = tpu.memref_squeeze %dma_wait3A_746 : memref<1x128x128xf32, #tpu.memory_space<vmem>> -> memref<128x128xf32, #tpu.memory_space<vmem>>
      %dma_wait3A_748 = arith.constant 0 : i32
      %dma_wait3A_749 = tpu.memref_slice %arg11[%dma_wait3A_742, %dma_wait3A_748] : memref<4x128xi32, #tpu.memory_space<vmem>> -> memref<1x128xi32, #tpu.memory_space<vmem>>
      %dma_wait3A_750 = tpu.memref_squeeze %dma_wait3A_749 : memref<1x128xi32, #tpu.memory_space<vmem>> -> memref<128xi32, #tpu.memory_space<vmem>>
      %dma_wait3A_751 = arith.constant 0 : i32
      %dma_wait3A_752 = arith.constant 0 : i32
      %dma_wait3A_753 = tpu.memref_slice %arg12[%dma_wait3A_751, %dma_wait3A_752] : memref<4096x128xf32, #tpu.memory_space<vmem_shared>> -> memref<4096x128xf32, #tpu.memory_space<vmem_shared>>
      %dma_wait3A_754 = tpu.memref_slice %arg14[%dma_wait3A_743] : memref<4x!tpu.dma_semaphore, #tpu.memory_space<semaphore_mem>> -> memref<1x!tpu.dma_semaphore, #tpu.memory_space<semaphore_mem>>
      %dma_wait3A_755 = tpu.memref_squeeze %dma_wait3A_754 : memref<1x!tpu.dma_semaphore, #tpu.memory_space<semaphore_mem>> -> memref<!tpu.dma_semaphore, #tpu.memory_space<semaphore_mem>>
      tpu.wait_indirect_dma semaphore(%dma_wait3A_755 : memref<!tpu.dma_semaphore, #tpu.memory_space<semaphore_mem>>) src(%dma_wait3A_747 : memref<128x128xf32, #tpu.memory_space<vmem>>) dst(%dma_wait3A_753 : memref<4096x128xf32, #tpu.memory_space<vmem_shared>>)
      %lt3A = arith.constant 31 : i32
      %lt3A_756 = arith.cmpi slt, %scan3A_195, %lt3A : i32
      %convert_element_type3A = arith.extui %lt3A_756 : i1 to i32
      %cond3A = arith.constant 0 : i32
      %cond3A_757 = arith.cmpi ne, %convert_element_type3A, %cond3A : i32
      scf.if %cond3A_757 {
        %add3A_822 = arith.constant 1 : i32
        %add3A_823 = arith.addi %scan3A_195, %add3A_822 : i32
        %mul3A_824 = arith.constant 4 : i32
        %mul3A_825 = arith.muli %mul3A_824, %add3A_823 : i32
        %add3A_826 = arith.constant 0 : i32
        %add3A_827 = arith.addi %mul3A_825, %add3A_826 : i32
        %mul3A_828 = arith.constant 128 : i32
        %mul3A_829 = arith.muli %add3A_827, %mul3A_828 : i32
        %multiple_of3A_830 = tpu.assume_multiple %mul3A_829, 128 : i32
        %dma_start3A_831 = arith.constant 0 : i32
        %dma_start3A_832 = arith.constant 0 : i32
        %dma_start3A_833 = arith.constant 0 : i32
        %dma_start3A_834 = arith.constant 0 : i32
        %dma_start3A_835 = tpu.memref_slice %arg10[%dma_start3A_831, %dma_start3A_833, %dma_start3A_834] : memref<4x128x128xf32, #tpu.memory_space<vmem>> -> memref<1x128x128xf32, #tpu.memory_space<vmem>>
        %dma_start3A_836 = tpu.memref_squeeze %dma_start3A_835 : memref<1x128x128xf32, #tpu.memory_space<vmem>> -> memref<128x128xf32, #tpu.memory_space<vmem>>
        %dma_start3A_837 = tpu.memref_slice %arg8[%multiple_of3A_830] : memref<16384xi32, #tpu.memory_space<vmem>> -> memref<128xi32, #tpu.memory_space<vmem>>
        %dma_start3A_838 = arith.constant 0 : i32
        %dma_start3A_839 = arith.constant 0 : i32
        %dma_start3A_840 = tpu.memref_slice %arg2[%dma_start3A_838, %dma_start3A_839] : memref<100000x128xf32, #tpu.memory_space<hbm>> -> memref<100000x128xf32, #tpu.memory_space<hbm>>
        %dma_start3A_841 = tpu.memref_slice %arg13[%dma_start3A_832] : memref<4x!tpu.dma_semaphore, #tpu.memory_space<semaphore_mem>> -> memref<1x!tpu.dma_semaphore, #tpu.memory_space<semaphore_mem>>
        %dma_start3A_842 = tpu.memref_squeeze %dma_start3A_841 : memref<1x!tpu.dma_semaphore, #tpu.memory_space<semaphore_mem>> -> memref<!tpu.dma_semaphore, #tpu.memory_space<semaphore_mem>>
        tpu.enqueue_indirect_dma source(%dma_start3A_840 : memref<100000x128xf32, #tpu.memory_space<hbm>>) target(%dma_start3A_836 : memref<128x128xf32, #tpu.memory_space<vmem>>) offsets(%dma_start3A_837 : memref<128xi32, #tpu.memory_space<vmem>>) semaphore(%dma_start3A_842 : memref<!tpu.dma_semaphore, #tpu.memory_space<semaphore_mem>>)
      } else {
      }
      %dma_wait3A_758 = arith.constant 1 : i32
      %dma_wait3A_759 = arith.constant 1 : i32
      %dma_wait3A_760 = arith.constant 1 : i32
      %dma_wait3A_761 = arith.constant 0 : i32
      %dma_wait3A_762 = arith.constant 0 : i32
      %dma_wait3A_763 = tpu.memref_slice %arg10[%dma_wait3A_758, %dma_wait3A_761, %dma_wait3A_762] : memref<4x128x128xf32, #tpu.memory_space<vmem>> -> memref<1x128x128xf32, #tpu.memory_space<vmem>>
      %dma_wait3A_764 = tpu.memref_squeeze %dma_wait3A_763 : memref<1x128x128xf32, #tpu.memory_space<vmem>> -> memref<128x128xf32, #tpu.memory_space<vmem>>
      %dma_wait3A_765 = arith.constant 0 : i32
      %dma_wait3A_766 = tpu.memref_slice %arg11[%dma_wait3A_759, %dma_wait3A_765] : memref<4x128xi32, #tpu.memory_space<vmem>> -> memref<1x128xi32, #tpu.memory_space<vmem>>
      %dma_wait3A_767 = tpu.memref_squeeze %dma_wait3A_766 : memref<1x128xi32, #tpu.memory_space<vmem>> -> memref<128xi32, #tpu.memory_space<vmem>>
      %dma_wait3A_768 = arith.constant 0 : i32
      %dma_wait3A_769 = arith.constant 0 : i32
      %dma_wait3A_770 = tpu.memref_slice %arg12[%dma_wait3A_768, %dma_wait3A_769] : memref<4096x128xf32, #tpu.memory_space<vmem_shared>> -> memref<4096x128xf32, #tpu.memory_space<vmem_shared>>
      %dma_wait3A_771 = tpu.memref_slice %arg14[%dma_wait3A_760] : memref<4x!tpu.dma_semaphore, #tpu.memory_space<semaphore_mem>> -> memref<1x!tpu.dma_semaphore, #tpu.memory_space<semaphore_mem>>
      %dma_wait3A_772 = tpu.memref_squeeze %dma_wait3A_771 : memref<1x!tpu.dma_semaphore, #tpu.memory_space<semaphore_mem>> -> memref<!tpu.dma_semaphore, #tpu.memory_space<semaphore_mem>>
      tpu.wait_indirect_dma semaphore(%dma_wait3A_772 : memref<!tpu.dma_semaphore, #tpu.memory_space<semaphore_mem>>) src(%dma_wait3A_764 : memref<128x128xf32, #tpu.memory_space<vmem>>) dst(%dma_wait3A_770 : memref<4096x128xf32, #tpu.memory_space<vmem_shared>>)
      %lt3A_773 = arith.constant 31 : i32
      %lt3A_774 = arith.cmpi slt, %scan3A_195, %lt3A_773 : i32
      %convert_element_type3A_775 = arith.extui %lt3A_774 : i1 to i32
      %cond3A_776 = arith.constant 0 : i32
      %cond3A_777 = arith.cmpi ne, %convert_element_type3A_775, %cond3A_776 : i32
      scf.if %cond3A_777 {
        %add3A_822 = arith.constant 1 : i32
        %add3A_823 = arith.addi %scan3A_195, %add3A_822 : i32
        %mul3A_824 = arith.constant 4 : i32
        %mul3A_825 = arith.muli %mul3A_824, %add3A_823 : i32
        %add3A_826 = arith.constant 1 : i32
        %add3A_827 = arith.addi %mul3A_825, %add3A_826 : i32
        %mul3A_828 = arith.constant 128 : i32
        %mul3A_829 = arith.muli %add3A_827, %mul3A_828 : i32
        %multiple_of3A_830 = tpu.assume_multiple %mul3A_829, 128 : i32
        %dma_start3A_831 = arith.constant 1 : i32
        %dma_start3A_832 = arith.constant 1 : i32
        %dma_start3A_833 = arith.constant 0 : i32
        %dma_start3A_834 = arith.constant 0 : i32
        %dma_start3A_835 = tpu.memref_slice %arg10[%dma_start3A_831, %dma_start3A_833, %dma_start3A_834] : memref<4x128x128xf32, #tpu.memory_space<vmem>> -> memref<1x128x128xf32, #tpu.memory_space<vmem>>
        %dma_start3A_836 = tpu.memref_squeeze %dma_start3A_835 : memref<1x128x128xf32, #tpu.memory_space<vmem>> -> memref<128x128xf32, #tpu.memory_space<vmem>>
        %dma_start3A_837 = tpu.memref_slice %arg8[%multiple_of3A_830] : memref<16384xi32, #tpu.memory_space<vmem>> -> memref<128xi32, #tpu.memory_space<vmem>>
        %dma_start3A_838 = arith.constant 0 : i32
        %dma_start3A_839 = arith.constant 0 : i32
        %dma_start3A_840 = tpu.memref_slice %arg2[%dma_start3A_838, %dma_start3A_839] : memref<100000x128xf32, #tpu.memory_space<hbm>> -> memref<100000x128xf32, #tpu.memory_space<hbm>>
        %dma_start3A_841 = tpu.memref_slice %arg13[%dma_start3A_832] : memref<4x!tpu.dma_semaphore, #tpu.memory_space<semaphore_mem>> -> memref<1x!tpu.dma_semaphore, #tpu.memory_space<semaphore_mem>>
        %dma_start3A_842 = tpu.memref_squeeze %dma_start3A_841 : memref<1x!tpu.dma_semaphore, #tpu.memory_space<semaphore_mem>> -> memref<!tpu.dma_semaphore, #tpu.memory_space<semaphore_mem>>
        tpu.enqueue_indirect_dma source(%dma_start3A_840 : memref<100000x128xf32, #tpu.memory_space<hbm>>) target(%dma_start3A_836 : memref<128x128xf32, #tpu.memory_space<vmem>>) offsets(%dma_start3A_837 : memref<128xi32, #tpu.memory_space<vmem>>) semaphore(%dma_start3A_842 : memref<!tpu.dma_semaphore, #tpu.memory_space<semaphore_mem>>)
      } else {
      }
      %dma_wait3A_778 = arith.constant 2 : i32
      %dma_wait3A_779 = arith.constant 2 : i32
      %dma_wait3A_780 = arith.constant 2 : i32
      %dma_wait3A_781 = arith.constant 0 : i32
      %dma_wait3A_782 = arith.constant 0 : i32
      %dma_wait3A_783 = tpu.memref_slice %arg10[%dma_wait3A_778, %dma_wait3A_781, %dma_wait3A_782] : memref<4x128x128xf32, #tpu.memory_space<vmem>> -> memref<1x128x128xf32, #tpu.memory_space<vmem>>
      %dma_wait3A_784 = tpu.memref_squeeze %dma_wait3A_783 : memref<1x128x128xf32, #tpu.memory_space<vmem>> -> memref<128x128xf32, #tpu.memory_space<vmem>>
      %dma_wait3A_785 = arith.constant 0 : i32
      %dma_wait3A_786 = tpu.memref_slice %arg11[%dma_wait3A_779, %dma_wait3A_785] : memref<4x128xi32, #tpu.memory_space<vmem>> -> memref<1x128xi32, #tpu.memory_space<vmem>>
      %dma_wait3A_787 = tpu.memref_squeeze %dma_wait3A_786 : memref<1x128xi32, #tpu.memory_space<vmem>> -> memref<128xi32, #tpu.memory_space<vmem>>
      %dma_wait3A_788 = arith.constant 0 : i32
      %dma_wait3A_789 = arith.constant 0 : i32
      %dma_wait3A_790 = tpu.memref_slice %arg12[%dma_wait3A_788, %dma_wait3A_789] : memref<4096x128xf32, #tpu.memory_space<vmem_shared>> -> memref<4096x128xf32, #tpu.memory_space<vmem_shared>>
      %dma_wait3A_791 = tpu.memref_slice %arg14[%dma_wait3A_780] : memref<4x!tpu.dma_semaphore, #tpu.memory_space<semaphore_mem>> -> memref<1x!tpu.dma_semaphore, #tpu.memory_space<semaphore_mem>>
      %dma_wait3A_792 = tpu.memref_squeeze %dma_wait3A_791 : memref<1x!tpu.dma_semaphore, #tpu.memory_space<semaphore_mem>> -> memref<!tpu.dma_semaphore, #tpu.memory_space<semaphore_mem>>
      tpu.wait_indirect_dma semaphore(%dma_wait3A_792 : memref<!tpu.dma_semaphore, #tpu.memory_space<semaphore_mem>>) src(%dma_wait3A_784 : memref<128x128xf32, #tpu.memory_space<vmem>>) dst(%dma_wait3A_790 : memref<4096x128xf32, #tpu.memory_space<vmem_shared>>)
      %lt3A_793 = arith.constant 31 : i32
      %lt3A_794 = arith.cmpi slt, %scan3A_195, %lt3A_793 : i32
      %convert_element_type3A_795 = arith.extui %lt3A_794 : i1 to i32
      %cond3A_796 = arith.constant 0 : i32
      %cond3A_797 = arith.cmpi ne, %convert_element_type3A_795, %cond3A_796 : i32
      scf.if %cond3A_797 {
        %add3A_822 = arith.constant 1 : i32
        %add3A_823 = arith.addi %scan3A_195, %add3A_822 : i32
        %mul3A_824 = arith.constant 4 : i32
        %mul3A_825 = arith.muli %mul3A_824, %add3A_823 : i32
        %add3A_826 = arith.constant 2 : i32
        %add3A_827 = arith.addi %mul3A_825, %add3A_826 : i32
        %mul3A_828 = arith.constant 128 : i32
        %mul3A_829 = arith.muli %add3A_827, %mul3A_828 : i32
        %multiple_of3A_830 = tpu.assume_multiple %mul3A_829, 128 : i32
        %dma_start3A_831 = arith.constant 2 : i32
        %dma_start3A_832 = arith.constant 2 : i32
        %dma_start3A_833 = arith.constant 0 : i32
        %dma_start3A_834 = arith.constant 0 : i32
        %dma_start3A_835 = tpu.memref_slice %arg10[%dma_start3A_831, %dma_start3A_833, %dma_start3A_834] : memref<4x128x128xf32, #tpu.memory_space<vmem>> -> memref<1x128x128xf32, #tpu.memory_space<vmem>>
        %dma_start3A_836 = tpu.memref_squeeze %dma_start3A_835 : memref<1x128x128xf32, #tpu.memory_space<vmem>> -> memref<128x128xf32, #tpu.memory_space<vmem>>
        %dma_start3A_837 = tpu.memref_slice %arg8[%multiple_of3A_830] : memref<16384xi32, #tpu.memory_space<vmem>> -> memref<128xi32, #tpu.memory_space<vmem>>
        %dma_start3A_838 = arith.constant 0 : i32
        %dma_start3A_839 = arith.constant 0 : i32
        %dma_start3A_840 = tpu.memref_slice %arg2[%dma_start3A_838, %dma_start3A_839] : memref<100000x128xf32, #tpu.memory_space<hbm>> -> memref<100000x128xf32, #tpu.memory_space<hbm>>
        %dma_start3A_841 = tpu.memref_slice %arg13[%dma_start3A_832] : memref<4x!tpu.dma_semaphore, #tpu.memory_space<semaphore_mem>> -> memref<1x!tpu.dma_semaphore, #tpu.memory_space<semaphore_mem>>
        %dma_start3A_842 = tpu.memref_squeeze %dma_start3A_841 : memref<1x!tpu.dma_semaphore, #tpu.memory_space<semaphore_mem>> -> memref<!tpu.dma_semaphore, #tpu.memory_space<semaphore_mem>>
        tpu.enqueue_indirect_dma source(%dma_start3A_840 : memref<100000x128xf32, #tpu.memory_space<hbm>>) target(%dma_start3A_836 : memref<128x128xf32, #tpu.memory_space<vmem>>) offsets(%dma_start3A_837 : memref<128xi32, #tpu.memory_space<vmem>>) semaphore(%dma_start3A_842 : memref<!tpu.dma_semaphore, #tpu.memory_space<semaphore_mem>>)
      } else {
      }
      %dma_wait3A_798 = arith.constant 3 : i32
      %dma_wait3A_799 = arith.constant 3 : i32
      %dma_wait3A_800 = arith.constant 3 : i32
      %dma_wait3A_801 = arith.constant 0 : i32
      %dma_wait3A_802 = arith.constant 0 : i32
      %dma_wait3A_803 = tpu.memref_slice %arg10[%dma_wait3A_798, %dma_wait3A_801, %dma_wait3A_802] : memref<4x128x128xf32, #tpu.memory_space<vmem>> -> memref<1x128x128xf32, #tpu.memory_space<vmem>>
      %dma_wait3A_804 = tpu.memref_squeeze %dma_wait3A_803 : memref<1x128x128xf32, #tpu.memory_space<vmem>> -> memref<128x128xf32, #tpu.memory_space<vmem>>
      %dma_wait3A_805 = arith.constant 0 : i32
      %dma_wait3A_806 = tpu.memref_slice %arg11[%dma_wait3A_799, %dma_wait3A_805] : memref<4x128xi32, #tpu.memory_space<vmem>> -> memref<1x128xi32, #tpu.memory_space<vmem>>
      %dma_wait3A_807 = tpu.memref_squeeze %dma_wait3A_806 : memref<1x128xi32, #tpu.memory_space<vmem>> -> memref<128xi32, #tpu.memory_space<vmem>>
      %dma_wait3A_808 = arith.constant 0 : i32
      %dma_wait3A_809 = arith.constant 0 : i32
      %dma_wait3A_810 = tpu.memref_slice %arg12[%dma_wait3A_808, %dma_wait3A_809] : memref<4096x128xf32, #tpu.memory_space<vmem_shared>> -> memref<4096x128xf32, #tpu.memory_space<vmem_shared>>
      %dma_wait3A_811 = tpu.memref_slice %arg14[%dma_wait3A_800] : memref<4x!tpu.dma_semaphore, #tpu.memory_space<semaphore_mem>> -> memref<1x!tpu.dma_semaphore, #tpu.memory_space<semaphore_mem>>
      %dma_wait3A_812 = tpu.memref_squeeze %dma_wait3A_811 : memref<1x!tpu.dma_semaphore, #tpu.memory_space<semaphore_mem>> -> memref<!tpu.dma_semaphore, #tpu.memory_space<semaphore_mem>>
      tpu.wait_indirect_dma semaphore(%dma_wait3A_812 : memref<!tpu.dma_semaphore, #tpu.memory_space<semaphore_mem>>) src(%dma_wait3A_804 : memref<128x128xf32, #tpu.memory_space<vmem>>) dst(%dma_wait3A_810 : memref<4096x128xf32, #tpu.memory_space<vmem_shared>>)
      %lt3A_813 = arith.constant 31 : i32
      %lt3A_814 = arith.cmpi slt, %scan3A_195, %lt3A_813 : i32
      %convert_element_type3A_815 = arith.extui %lt3A_814 : i1 to i32
      %cond3A_816 = arith.constant 0 : i32
      %cond3A_817 = arith.cmpi ne, %convert_element_type3A_815, %cond3A_816 : i32
      scf.if %cond3A_817 {
        %add3A_822 = arith.constant 1 : i32
        %add3A_823 = arith.addi %scan3A_195, %add3A_822 : i32
        %mul3A_824 = arith.constant 4 : i32
        %mul3A_825 = arith.muli %mul3A_824, %add3A_823 : i32
        %add3A_826 = arith.constant 3 : i32
        %add3A_827 = arith.addi %mul3A_825, %add3A_826 : i32
        %mul3A_828 = arith.constant 128 : i32
        %mul3A_829 = arith.muli %add3A_827, %mul3A_828 : i32
        %multiple_of3A_830 = tpu.assume_multiple %mul3A_829, 128 : i32
        %dma_start3A_831 = arith.constant 3 : i32
        %dma_start3A_832 = arith.constant 3 : i32
        %dma_start3A_833 = arith.constant 0 : i32
        %dma_start3A_834 = arith.constant 0 : i32
        %dma_start3A_835 = tpu.memref_slice %arg10[%dma_start3A_831, %dma_start3A_833, %dma_start3A_834] : memref<4x128x128xf32, #tpu.memory_space<vmem>> -> memref<1x128x128xf32, #tpu.memory_space<vmem>>
        %dma_start3A_836 = tpu.memref_squeeze %dma_start3A_835 : memref<1x128x128xf32, #tpu.memory_space<vmem>> -> memref<128x128xf32, #tpu.memory_space<vmem>>
        %dma_start3A_837 = tpu.memref_slice %arg8[%multiple_of3A_830] : memref<16384xi32, #tpu.memory_space<vmem>> -> memref<128xi32, #tpu.memory_space<vmem>>
        %dma_start3A_838 = arith.constant 0 : i32
        %dma_start3A_839 = arith.constant 0 : i32
        %dma_start3A_840 = tpu.memref_slice %arg2[%dma_start3A_838, %dma_start3A_839] : memref<100000x128xf32, #tpu.memory_space<hbm>> -> memref<100000x128xf32, #tpu.memory_space<hbm>>
        %dma_start3A_841 = tpu.memref_slice %arg13[%dma_start3A_832] : memref<4x!tpu.dma_semaphore, #tpu.memory_space<semaphore_mem>> -> memref<1x!tpu.dma_semaphore, #tpu.memory_space<semaphore_mem>>
        %dma_start3A_842 = tpu.memref_squeeze %dma_start3A_841 : memref<1x!tpu.dma_semaphore, #tpu.memory_space<semaphore_mem>> -> memref<!tpu.dma_semaphore, #tpu.memory_space<semaphore_mem>>
        tpu.enqueue_indirect_dma source(%dma_start3A_840 : memref<100000x128xf32, #tpu.memory_space<hbm>>) target(%dma_start3A_836 : memref<128x128xf32, #tpu.memory_space<vmem>>) offsets(%dma_start3A_837 : memref<128xi32, #tpu.memory_space<vmem>>) semaphore(%dma_start3A_842 : memref<!tpu.dma_semaphore, #tpu.memory_space<semaphore_mem>>)
      } else {
      }
      %eq3A = arith.constant 15 : i32
      %eq3A_818 = arith.cmpi eq, %scan3A_195, %eq3A : i32
      %convert_element_type3A_819 = arith.extui %eq3A_818 : i1 to i32
      %cond3A_820 = arith.constant 0 : i32
      %cond3A_821 = arith.cmpi ne, %convert_element_type3A_819, %cond3A_820 : i32
      scf.if %cond3A_821 {
        %mul3A_822 = arith.constant 256 : i32
        %mul3A_823 = arith.muli %arg1, %mul3A_822 : i32
        %multiple_of3A_824 = tpu.assume_multiple %mul3A_2, 128 : i32
        "tpu.region"() ({
          %run_scoped3A_827 = tpu.sem_alloc : memref<!tpu.dma_semaphore, #tpu.memory_space<semaphore_mem>>
          %dma_start3A_828 = arith.constant 0 : i32
          %dma_start3A_829 = tpu.memref_slice %arg7[%multiple_of3A_824, %dma_start3A_828] : memref<16384x128xf32, #tpu.memory_space<hbm>> -> memref<256x128xf32, #tpu.memory_space<hbm>>
          %dma_start3A_830 = arith.constant 0 : i32
          %dma_start3A_831 = tpu.memref_slice %arg12[%mul3A_823, %dma_start3A_830] : memref<4096x128xf32, #tpu.memory_space<vmem_shared>> -> memref<256x128xf32, #tpu.memory_space<vmem_shared>>
          tpu.enqueue_dma source(%dma_start3A_831 : memref<256x128xf32, #tpu.memory_space<vmem_shared>>) target(%dma_start3A_829 : memref<256x128xf32, #tpu.memory_space<hbm>>) target_semaphore(%run_scoped3A_827 : memref<!tpu.dma_semaphore, #tpu.memory_space<semaphore_mem>>)
          %dma_wait3A_832 = arith.constant 0 : i32
          %dma_wait3A_833 = tpu.memref_slice %arg7[%multiple_of3A_824, %dma_wait3A_832] : memref<16384x128xf32, #tpu.memory_space<hbm>> -> memref<256x128xf32, #tpu.memory_space<hbm>>
          %dma_wait3A_834 = arith.constant 0 : i32
          %dma_wait3A_835 = tpu.memref_slice %arg12[%mul3A_823, %dma_wait3A_834] : memref<4096x128xf32, #tpu.memory_space<vmem_shared>> -> memref<256x128xf32, #tpu.memory_space<vmem_shared>>
          tpu.wait_dma2 semaphore(%run_scoped3A_827 : memref<!tpu.dma_semaphore, #tpu.memory_space<semaphore_mem>>) src(%dma_wait3A_835 : memref<256x128xf32, #tpu.memory_space<vmem_shared>>) dst(%dma_wait3A_833 : memref<256x128xf32, #tpu.memory_space<hbm>>)
          tpu.yield
        }) : () -> ()
        %mul3A_825 = arith.constant 256 : i32
        %mul3A_826 = arith.muli %arg1, %mul3A_825 : i32
        "tpu.region"() ({
          %run_scoped3A_827 = tpu.sem_alloc : memref<!tpu.dma_semaphore, #tpu.memory_space<semaphore_mem>>
          %dma_start3A_828 = arith.constant 0 : i32
          %dma_start3A_829 = tpu.memref_slice %arg12[%mul3A_826, %dma_start3A_828] : memref<4096x128xf32, #tpu.memory_space<vmem_shared>> -> memref<256x128xf32, #tpu.memory_space<vmem_shared>>
          tpu.enqueue_dma source(%arg5 : memref<256x128xf32, #tpu.memory_space<hbm>>) target(%dma_start3A_829 : memref<256x128xf32, #tpu.memory_space<vmem_shared>>) target_semaphore(%run_scoped3A_827 : memref<!tpu.dma_semaphore, #tpu.memory_space<semaphore_mem>>)
          %dma_wait3A_830 = arith.constant 0 : i32
          %dma_wait3A_831 = tpu.memref_slice %arg12[%mul3A_826, %dma_wait3A_830] : memref<4096x128xf32, #tpu.memory_space<vmem_shared>> -> memref<256x128xf32, #tpu.memory_space<vmem_shared>>
          tpu.wait_dma2 semaphore(%run_scoped3A_827 : memref<!tpu.dma_semaphore, #tpu.memory_space<semaphore_mem>>) src(%arg5 : memref<256x128xf32, #tpu.memory_space<hbm>>) dst(%dma_wait3A_831 : memref<256x128xf32, #tpu.memory_space<vmem_shared>>)
          tpu.yield
        }) : () -> ()
      } else {
      }
    }
    %scan3A_70 = arith.constant 32 : i32
    %dma_start3A_71 = arith.constant 0 : i32
    %dma_start3A_72 = arith.constant 0 : i32
    %dma_start3A_73 = arith.constant 0 : i32
    %dma_start3A_74 = arith.constant 0 : i32
    %dma_start3A_75 = tpu.memref_slice %arg10[%dma_start3A_71, %dma_start3A_73, %dma_start3A_74] : memref<4x128x128xf32, #tpu.memory_space<vmem>> -> memref<1x128x128xf32, #tpu.memory_space<vmem>>
    %dma_start3A_76 = tpu.memref_squeeze %dma_start3A_75 : memref<1x128x128xf32, #tpu.memory_space<vmem>> -> memref<128x128xf32, #tpu.memory_space<vmem>>
    %dma_start3A_77 = arith.constant 0 : i32
    %dma_start3A_78 = tpu.memref_slice %arg9[%dma_start3A_77] : memref<512xi32, #tpu.memory_space<vmem>> -> memref<128xi32, #tpu.memory_space<vmem>>
    %dma_start3A_79 = arith.constant 0 : i32
    %dma_start3A_80 = arith.constant 0 : i32
    %dma_start3A_81 = tpu.memref_slice %arg2[%dma_start3A_79, %dma_start3A_80] : memref<100000x128xf32, #tpu.memory_space<hbm>> -> memref<100000x128xf32, #tpu.memory_space<hbm>>
    %dma_start3A_82 = tpu.memref_slice %arg13[%dma_start3A_72] : memref<4x!tpu.dma_semaphore, #tpu.memory_space<semaphore_mem>> -> memref<1x!tpu.dma_semaphore, #tpu.memory_space<semaphore_mem>>
    %dma_start3A_83 = tpu.memref_squeeze %dma_start3A_82 : memref<1x!tpu.dma_semaphore, #tpu.memory_space<semaphore_mem>> -> memref<!tpu.dma_semaphore, #tpu.memory_space<semaphore_mem>>
    tpu.enqueue_indirect_dma source(%dma_start3A_81 : memref<100000x128xf32, #tpu.memory_space<hbm>>) target(%dma_start3A_76 : memref<128x128xf32, #tpu.memory_space<vmem>>) offsets(%dma_start3A_78 : memref<128xi32, #tpu.memory_space<vmem>>) semaphore(%dma_start3A_83 : memref<!tpu.dma_semaphore, #tpu.memory_space<semaphore_mem>>)
    %dma_start3A_84 = arith.constant 1 : i32
    %dma_start3A_85 = arith.constant 1 : i32
    %dma_start3A_86 = arith.constant 0 : i32
    %dma_start3A_87 = arith.constant 0 : i32
    %dma_start3A_88 = tpu.memref_slice %arg10[%dma_start3A_84, %dma_start3A_86, %dma_start3A_87] : memref<4x128x128xf32, #tpu.memory_space<vmem>> -> memref<1x128x128xf32, #tpu.memory_space<vmem>>
    %dma_start3A_89 = tpu.memref_squeeze %dma_start3A_88 : memref<1x128x128xf32, #tpu.memory_space<vmem>> -> memref<128x128xf32, #tpu.memory_space<vmem>>
    %dma_start3A_90 = arith.constant 128 : i32
    %dma_start3A_91 = tpu.memref_slice %arg9[%dma_start3A_90] : memref<512xi32, #tpu.memory_space<vmem>> -> memref<128xi32, #tpu.memory_space<vmem>>
    %dma_start3A_92 = arith.constant 0 : i32
    %dma_start3A_93 = arith.constant 0 : i32
    %dma_start3A_94 = tpu.memref_slice %arg2[%dma_start3A_92, %dma_start3A_93] : memref<100000x128xf32, #tpu.memory_space<hbm>> -> memref<100000x128xf32, #tpu.memory_space<hbm>>
    %dma_start3A_95 = tpu.memref_slice %arg13[%dma_start3A_85] : memref<4x!tpu.dma_semaphore, #tpu.memory_space<semaphore_mem>> -> memref<1x!tpu.dma_semaphore, #tpu.memory_space<semaphore_mem>>
    %dma_start3A_96 = tpu.memref_squeeze %dma_start3A_95 : memref<1x!tpu.dma_semaphore, #tpu.memory_space<semaphore_mem>> -> memref<!tpu.dma_semaphore, #tpu.memory_space<semaphore_mem>>
    tpu.enqueue_indirect_dma source(%dma_start3A_94 : memref<100000x128xf32, #tpu.memory_space<hbm>>) target(%dma_start3A_89 : memref<128x128xf32, #tpu.memory_space<vmem>>) offsets(%dma_start3A_91 : memref<128xi32, #tpu.memory_space<vmem>>) semaphore(%dma_start3A_96 : memref<!tpu.dma_semaphore, #tpu.memory_space<semaphore_mem>>)
    %dma_start3A_97 = arith.constant 2 : i32
    %dma_start3A_98 = arith.constant 2 : i32
    %dma_start3A_99 = arith.constant 0 : i32
    %dma_start3A_100 = arith.constant 0 : i32
    %dma_start3A_101 = tpu.memref_slice %arg10[%dma_start3A_97, %dma_start3A_99, %dma_start3A_100] : memref<4x128x128xf32, #tpu.memory_space<vmem>> -> memref<1x128x128xf32, #tpu.memory_space<vmem>>
    %dma_start3A_102 = tpu.memref_squeeze %dma_start3A_101 : memref<1x128x128xf32, #tpu.memory_space<vmem>> -> memref<128x128xf32, #tpu.memory_space<vmem>>
    %dma_start3A_103 = arith.constant 256 : i32
    %dma_start3A_104 = tpu.memref_slice %arg9[%dma_start3A_103] : memref<512xi32, #tpu.memory_space<vmem>> -> memref<128xi32, #tpu.memory_space<vmem>>
    %dma_start3A_105 = arith.constant 0 : i32
    %dma_start3A_106 = arith.constant 0 : i32
    %dma_start3A_107 = tpu.memref_slice %arg2[%dma_start3A_105, %dma_start3A_106] : memref<100000x128xf32, #tpu.memory_space<hbm>> -> memref<100000x128xf32, #tpu.memory_space<hbm>>
    %dma_start3A_108 = tpu.memref_slice %arg13[%dma_start3A_98] : memref<4x!tpu.dma_semaphore, #tpu.memory_space<semaphore_mem>> -> memref<1x!tpu.dma_semaphore, #tpu.memory_space<semaphore_mem>>
    %dma_start3A_109 = tpu.memref_squeeze %dma_start3A_108 : memref<1x!tpu.dma_semaphore, #tpu.memory_space<semaphore_mem>> -> memref<!tpu.dma_semaphore, #tpu.memory_space<semaphore_mem>>
    tpu.enqueue_indirect_dma source(%dma_start3A_107 : memref<100000x128xf32, #tpu.memory_space<hbm>>) target(%dma_start3A_102 : memref<128x128xf32, #tpu.memory_space<vmem>>) offsets(%dma_start3A_104 : memref<128xi32, #tpu.memory_space<vmem>>) semaphore(%dma_start3A_109 : memref<!tpu.dma_semaphore, #tpu.memory_space<semaphore_mem>>)
    %dma_start3A_110 = arith.constant 3 : i32
    %dma_start3A_111 = arith.constant 3 : i32
    %dma_start3A_112 = arith.constant 0 : i32
    %dma_start3A_113 = arith.constant 0 : i32
    %dma_start3A_114 = tpu.memref_slice %arg10[%dma_start3A_110, %dma_start3A_112, %dma_start3A_113] : memref<4x128x128xf32, #tpu.memory_space<vmem>> -> memref<1x128x128xf32, #tpu.memory_space<vmem>>
    %dma_start3A_115 = tpu.memref_squeeze %dma_start3A_114 : memref<1x128x128xf32, #tpu.memory_space<vmem>> -> memref<128x128xf32, #tpu.memory_space<vmem>>
    %dma_start3A_116 = arith.constant 384 : i32
    %dma_start3A_117 = tpu.memref_slice %arg9[%dma_start3A_116] : memref<512xi32, #tpu.memory_space<vmem>> -> memref<128xi32, #tpu.memory_space<vmem>>
    %dma_start3A_118 = arith.constant 0 : i32
    %dma_start3A_119 = arith.constant 0 : i32
    %dma_start3A_120 = tpu.memref_slice %arg2[%dma_start3A_118, %dma_start3A_119] : memref<100000x128xf32, #tpu.memory_space<hbm>> -> memref<100000x128xf32, #tpu.memory_space<hbm>>
    %dma_start3A_121 = tpu.memref_slice %arg13[%dma_start3A_111] : memref<4x!tpu.dma_semaphore, #tpu.memory_space<semaphore_mem>> -> memref<1x!tpu.dma_semaphore, #tpu.memory_space<semaphore_mem>>
    %dma_start3A_122 = tpu.memref_squeeze %dma_start3A_121 : memref<1x!tpu.dma_semaphore, #tpu.memory_space<semaphore_mem>> -> memref<!tpu.dma_semaphore, #tpu.memory_space<semaphore_mem>>
    tpu.enqueue_indirect_dma source(%dma_start3A_120 : memref<100000x128xf32, #tpu.memory_space<hbm>>) target(%dma_start3A_115 : memref<128x128xf32, #tpu.memory_space<vmem>>) offsets(%dma_start3A_117 : memref<128xi32, #tpu.memory_space<vmem>>) semaphore(%dma_start3A_122 : memref<!tpu.dma_semaphore, #tpu.memory_space<semaphore_mem>>)
    %dma_wait3A_123 = arith.constant 0 : i32
    %dma_wait3A_124 = arith.constant 0 : i32
    %dma_wait3A_125 = arith.constant 0 : i32
    %dma_wait3A_126 = arith.constant 0 : i32
    %dma_wait3A_127 = tpu.memref_slice %arg10[%dma_wait3A_123, %dma_wait3A_125, %dma_wait3A_126] : memref<4x128x128xf32, #tpu.memory_space<vmem>> -> memref<1x128x128xf32, #tpu.memory_space<vmem>>
    %dma_wait3A_128 = tpu.memref_squeeze %dma_wait3A_127 : memref<1x128x128xf32, #tpu.memory_space<vmem>> -> memref<128x128xf32, #tpu.memory_space<vmem>>
    %dma_wait3A_129 = arith.constant 0 : i32
    %dma_wait3A_130 = tpu.memref_slice %arg9[%dma_wait3A_129] : memref<512xi32, #tpu.memory_space<vmem>> -> memref<128xi32, #tpu.memory_space<vmem>>
    %dma_wait3A_131 = arith.constant 0 : i32
    %dma_wait3A_132 = arith.constant 0 : i32
    %dma_wait3A_133 = tpu.memref_slice %arg2[%dma_wait3A_131, %dma_wait3A_132] : memref<100000x128xf32, #tpu.memory_space<hbm>> -> memref<100000x128xf32, #tpu.memory_space<hbm>>
    %dma_wait3A_134 = tpu.memref_slice %arg13[%dma_wait3A_124] : memref<4x!tpu.dma_semaphore, #tpu.memory_space<semaphore_mem>> -> memref<1x!tpu.dma_semaphore, #tpu.memory_space<semaphore_mem>>
    %dma_wait3A_135 = tpu.memref_squeeze %dma_wait3A_134 : memref<1x!tpu.dma_semaphore, #tpu.memory_space<semaphore_mem>> -> memref<!tpu.dma_semaphore, #tpu.memory_space<semaphore_mem>>
    tpu.wait_indirect_dma semaphore(%dma_wait3A_135 : memref<!tpu.dma_semaphore, #tpu.memory_space<semaphore_mem>>) src(%dma_wait3A_133 : memref<100000x128xf32, #tpu.memory_space<hbm>>) dst(%dma_wait3A_128 : memref<128x128xf32, #tpu.memory_space<vmem>>)
    %add3A_136 = arith.constant 0 : i32
    %add3A_137 = arith.addi %mul3A_2, %add3A_136 : i32
    %multiple_of3A_138 = tpu.assume_multiple %add3A_137, 128 : i32
    %run_scoped3A = arith.constant 0 : i32
    "tpu.region"() ({
      %run_scoped3A_195 = tpu.sem_alloc : memref<!tpu.dma_semaphore, #tpu.memory_space<semaphore_mem>>
      %dma_start3A_196 = arith.constant 0 : i32
      %dma_start3A_197 = arith.constant 0 : i32
      %dma_start3A_198 = tpu.memref_slice %arg10[%run_scoped3A, %dma_start3A_196, %dma_start3A_197] : memref<4x128x128xf32, #tpu.memory_space<vmem>> -> memref<1x128x128xf32, #tpu.memory_space<vmem>>
      %dma_start3A_199 = tpu.memref_squeeze %dma_start3A_198 : memref<1x128x128xf32, #tpu.memory_space<vmem>> -> memref<128x128xf32, #tpu.memory_space<vmem>>
      %dma_start3A_200 = arith.constant 0 : i32
      %dma_start3A_201 = tpu.memref_slice %arg6[%multiple_of3A_138, %dma_start3A_200] : memref<16384x128xf32, #tpu.memory_space<hbm>> -> memref<128x128xf32, #tpu.memory_space<hbm>>
      %dma_start3A_202 = arith.constant 0 : i32
      %dma_start3A_203 = tpu.memref_slice %arg6[%multiple_of3A_138, %dma_start3A_202] : memref<16384x128xf32, #tpu.memory_space<hbm>> -> memref<128x128xf32, #tpu.memory_space<hbm>>
      %dma_start3A_204 = arith.constant 0 : i32
      %dma_start3A_205 = arith.constant 0 : i32
      %dma_start3A_206 = tpu.memref_slice %arg10[%run_scoped3A, %dma_start3A_204, %dma_start3A_205] : memref<4x128x128xf32, #tpu.memory_space<vmem>> -> memref<1x128x128xf32, #tpu.memory_space<vmem>>
      %dma_start3A_207 = tpu.memref_squeeze %dma_start3A_206 : memref<1x128x128xf32, #tpu.memory_space<vmem>> -> memref<128x128xf32, #tpu.memory_space<vmem>>
      tpu.enqueue_dma source(%dma_start3A_207 : memref<128x128xf32, #tpu.memory_space<vmem>>) target(%dma_start3A_203 : memref<128x128xf32, #tpu.memory_space<hbm>>) target_semaphore(%run_scoped3A_195 : memref<!tpu.dma_semaphore, #tpu.memory_space<semaphore_mem>>)
      %dma_wait3A_208 = arith.constant 0 : i32
      %dma_wait3A_209 = arith.constant 0 : i32
      %dma_wait3A_210 = tpu.memref_slice %arg10[%run_scoped3A, %dma_wait3A_208, %dma_wait3A_209] : memref<4x128x128xf32, #tpu.memory_space<vmem>> -> memref<1x128x128xf32, #tpu.memory_space<vmem>>
      %dma_wait3A_211 = tpu.memref_squeeze %dma_wait3A_210 : memref<1x128x128xf32, #tpu.memory_space<vmem>> -> memref<128x128xf32, #tpu.memory_space<vmem>>
      %dma_wait3A_212 = arith.constant 0 : i32
      %dma_wait3A_213 = tpu.memref_slice %arg6[%multiple_of3A_138, %dma_wait3A_212] : memref<16384x128xf32, #tpu.memory_space<hbm>> -> memref<128x128xf32, #tpu.memory_space<hbm>>
      %dma_wait3A_214 = arith.constant 0 : i32
      %dma_wait3A_215 = tpu.memref_slice %arg6[%multiple_of3A_138, %dma_wait3A_214] : memref<16384x128xf32, #tpu.memory_space<hbm>> -> memref<128x128xf32, #tpu.memory_space<hbm>>
      %dma_wait3A_216 = arith.constant 0 : i32
      %dma_wait3A_217 = arith.constant 0 : i32
      %dma_wait3A_218 = tpu.memref_slice %arg10[%run_scoped3A, %dma_wait3A_216, %dma_wait3A_217] : memref<4x128x128xf32, #tpu.memory_space<vmem>> -> memref<1x128x128xf32, #tpu.memory_space<vmem>>
      %dma_wait3A_219 = tpu.memref_squeeze %dma_wait3A_218 : memref<1x128x128xf32, #tpu.memory_space<vmem>> -> memref<128x128xf32, #tpu.memory_space<vmem>>
      tpu.wait_dma2 semaphore(%run_scoped3A_195 : memref<!tpu.dma_semaphore, #tpu.memory_space<semaphore_mem>>) src(%dma_wait3A_219 : memref<128x128xf32, #tpu.memory_space<vmem>>) dst(%dma_wait3A_215 : memref<128x128xf32, #tpu.memory_space<hbm>>)
      tpu.yield
    }) : () -> ()
    %dma_wait3A_139 = arith.constant 1 : i32
    %dma_wait3A_140 = arith.constant 1 : i32
    %dma_wait3A_141 = arith.constant 0 : i32
    %dma_wait3A_142 = arith.constant 0 : i32
    %dma_wait3A_143 = tpu.memref_slice %arg10[%dma_wait3A_139, %dma_wait3A_141, %dma_wait3A_142] : memref<4x128x128xf32, #tpu.memory_space<vmem>> -> memref<1x128x128xf32, #tpu.memory_space<vmem>>
    %dma_wait3A_144 = tpu.memref_squeeze %dma_wait3A_143 : memref<1x128x128xf32, #tpu.memory_space<vmem>> -> memref<128x128xf32, #tpu.memory_space<vmem>>
    %dma_wait3A_145 = arith.constant 128 : i32
    %dma_wait3A_146 = tpu.memref_slice %arg9[%dma_wait3A_145] : memref<512xi32, #tpu.memory_space<vmem>> -> memref<128xi32, #tpu.memory_space<vmem>>
    %dma_wait3A_147 = arith.constant 0 : i32
    %dma_wait3A_148 = arith.constant 0 : i32
    %dma_wait3A_149 = tpu.memref_slice %arg2[%dma_wait3A_147, %dma_wait3A_148] : memref<100000x128xf32, #tpu.memory_space<hbm>> -> memref<100000x128xf32, #tpu.memory_space<hbm>>
    %dma_wait3A_150 = tpu.memref_slice %arg13[%dma_wait3A_140] : memref<4x!tpu.dma_semaphore, #tpu.memory_space<semaphore_mem>> -> memref<1x!tpu.dma_semaphore, #tpu.memory_space<semaphore_mem>>
    %dma_wait3A_151 = tpu.memref_squeeze %dma_wait3A_150 : memref<1x!tpu.dma_semaphore, #tpu.memory_space<semaphore_mem>> -> memref<!tpu.dma_semaphore, #tpu.memory_space<semaphore_mem>>
    tpu.wait_indirect_dma semaphore(%dma_wait3A_151 : memref<!tpu.dma_semaphore, #tpu.memory_space<semaphore_mem>>) src(%dma_wait3A_149 : memref<100000x128xf32, #tpu.memory_space<hbm>>) dst(%dma_wait3A_144 : memref<128x128xf32, #tpu.memory_space<vmem>>)
    %add3A_152 = arith.constant 128 : i32
    %add3A_153 = arith.addi %mul3A_2, %add3A_152 : i32
    %multiple_of3A_154 = tpu.assume_multiple %add3A_153, 128 : i32
    %run_scoped3A_155 = arith.constant 1 : i32
    "tpu.region"() ({
      %run_scoped3A_195 = tpu.sem_alloc : memref<!tpu.dma_semaphore, #tpu.memory_space<semaphore_mem>>
      %dma_start3A_196 = arith.constant 0 : i32
      %dma_start3A_197 = arith.constant 0 : i32
      %dma_start3A_198 = tpu.memref_slice %arg10[%run_scoped3A_155, %dma_start3A_196, %dma_start3A_197] : memref<4x128x128xf32, #tpu.memory_space<vmem>> -> memref<1x128x128xf32, #tpu.memory_space<vmem>>
      %dma_start3A_199 = tpu.memref_squeeze %dma_start3A_198 : memref<1x128x128xf32, #tpu.memory_space<vmem>> -> memref<128x128xf32, #tpu.memory_space<vmem>>
      %dma_start3A_200 = arith.constant 0 : i32
      %dma_start3A_201 = tpu.memref_slice %arg6[%multiple_of3A_154, %dma_start3A_200] : memref<16384x128xf32, #tpu.memory_space<hbm>> -> memref<128x128xf32, #tpu.memory_space<hbm>>
      %dma_start3A_202 = arith.constant 0 : i32
      %dma_start3A_203 = tpu.memref_slice %arg6[%multiple_of3A_154, %dma_start3A_202] : memref<16384x128xf32, #tpu.memory_space<hbm>> -> memref<128x128xf32, #tpu.memory_space<hbm>>
      %dma_start3A_204 = arith.constant 0 : i32
      %dma_start3A_205 = arith.constant 0 : i32
      %dma_start3A_206 = tpu.memref_slice %arg10[%run_scoped3A_155, %dma_start3A_204, %dma_start3A_205] : memref<4x128x128xf32, #tpu.memory_space<vmem>> -> memref<1x128x128xf32, #tpu.memory_space<vmem>>
      %dma_start3A_207 = tpu.memref_squeeze %dma_start3A_206 : memref<1x128x128xf32, #tpu.memory_space<vmem>> -> memref<128x128xf32, #tpu.memory_space<vmem>>
      tpu.enqueue_dma source(%dma_start3A_207 : memref<128x128xf32, #tpu.memory_space<vmem>>) target(%dma_start3A_203 : memref<128x128xf32, #tpu.memory_space<hbm>>) target_semaphore(%run_scoped3A_195 : memref<!tpu.dma_semaphore, #tpu.memory_space<semaphore_mem>>)
      %dma_wait3A_208 = arith.constant 0 : i32
      %dma_wait3A_209 = arith.constant 0 : i32
      %dma_wait3A_210 = tpu.memref_slice %arg10[%run_scoped3A_155, %dma_wait3A_208, %dma_wait3A_209] : memref<4x128x128xf32, #tpu.memory_space<vmem>> -> memref<1x128x128xf32, #tpu.memory_space<vmem>>
      %dma_wait3A_211 = tpu.memref_squeeze %dma_wait3A_210 : memref<1x128x128xf32, #tpu.memory_space<vmem>> -> memref<128x128xf32, #tpu.memory_space<vmem>>
      %dma_wait3A_212 = arith.constant 0 : i32
      %dma_wait3A_213 = tpu.memref_slice %arg6[%multiple_of3A_154, %dma_wait3A_212] : memref<16384x128xf32, #tpu.memory_space<hbm>> -> memref<128x128xf32, #tpu.memory_space<hbm>>
      %dma_wait3A_214 = arith.constant 0 : i32
      %dma_wait3A_215 = tpu.memref_slice %arg6[%multiple_of3A_154, %dma_wait3A_214] : memref<16384x128xf32, #tpu.memory_space<hbm>> -> memref<128x128xf32, #tpu.memory_space<hbm>>
      %dma_wait3A_216 = arith.constant 0 : i32
      %dma_wait3A_217 = arith.constant 0 : i32
      %dma_wait3A_218 = tpu.memref_slice %arg10[%run_scoped3A_155, %dma_wait3A_216, %dma_wait3A_217] : memref<4x128x128xf32, #tpu.memory_space<vmem>> -> memref<1x128x128xf32, #tpu.memory_space<vmem>>
      %dma_wait3A_219 = tpu.memref_squeeze %dma_wait3A_218 : memref<1x128x128xf32, #tpu.memory_space<vmem>> -> memref<128x128xf32, #tpu.memory_space<vmem>>
      tpu.wait_dma2 semaphore(%run_scoped3A_195 : memref<!tpu.dma_semaphore, #tpu.memory_space<semaphore_mem>>) src(%dma_wait3A_219 : memref<128x128xf32, #tpu.memory_space<vmem>>) dst(%dma_wait3A_215 : memref<128x128xf32, #tpu.memory_space<hbm>>)
      tpu.yield
    }) : () -> ()
    %dma_wait3A_156 = arith.constant 2 : i32
    %dma_wait3A_157 = arith.constant 2 : i32
    %dma_wait3A_158 = arith.constant 0 : i32
    %dma_wait3A_159 = arith.constant 0 : i32
    %dma_wait3A_160 = tpu.memref_slice %arg10[%dma_wait3A_156, %dma_wait3A_158, %dma_wait3A_159] : memref<4x128x128xf32, #tpu.memory_space<vmem>> -> memref<1x128x128xf32, #tpu.memory_space<vmem>>
    %dma_wait3A_161 = tpu.memref_squeeze %dma_wait3A_160 : memref<1x128x128xf32, #tpu.memory_space<vmem>> -> memref<128x128xf32, #tpu.memory_space<vmem>>
    %dma_wait3A_162 = arith.constant 256 : i32
    %dma_wait3A_163 = tpu.memref_slice %arg9[%dma_wait3A_162] : memref<512xi32, #tpu.memory_space<vmem>> -> memref<128xi32, #tpu.memory_space<vmem>>
    %dma_wait3A_164 = arith.constant 0 : i32
    %dma_wait3A_165 = arith.constant 0 : i32
    %dma_wait3A_166 = tpu.memref_slice %arg2[%dma_wait3A_164, %dma_wait3A_165] : memref<100000x128xf32, #tpu.memory_space<hbm>> -> memref<100000x128xf32, #tpu.memory_space<hbm>>
    %dma_wait3A_167 = tpu.memref_slice %arg13[%dma_wait3A_157] : memref<4x!tpu.dma_semaphore, #tpu.memory_space<semaphore_mem>> -> memref<1x!tpu.dma_semaphore, #tpu.memory_space<semaphore_mem>>
    %dma_wait3A_168 = tpu.memref_squeeze %dma_wait3A_167 : memref<1x!tpu.dma_semaphore, #tpu.memory_space<semaphore_mem>> -> memref<!tpu.dma_semaphore, #tpu.memory_space<semaphore_mem>>
    tpu.wait_indirect_dma semaphore(%dma_wait3A_168 : memref<!tpu.dma_semaphore, #tpu.memory_space<semaphore_mem>>) src(%dma_wait3A_166 : memref<100000x128xf32, #tpu.memory_space<hbm>>) dst(%dma_wait3A_161 : memref<128x128xf32, #tpu.memory_space<vmem>>)
    %add3A_169 = arith.constant 256 : i32
    %add3A_170 = arith.addi %mul3A_2, %add3A_169 : i32
    %multiple_of3A_171 = tpu.assume_multiple %add3A_170, 128 : i32
    %run_scoped3A_172 = arith.constant 2 : i32
    "tpu.region"() ({
      %run_scoped3A_195 = tpu.sem_alloc : memref<!tpu.dma_semaphore, #tpu.memory_space<semaphore_mem>>
      %dma_start3A_196 = arith.constant 0 : i32
      %dma_start3A_197 = arith.constant 0 : i32
      %dma_start3A_198 = tpu.memref_slice %arg10[%run_scoped3A_172, %dma_start3A_196, %dma_start3A_197] : memref<4x128x128xf32, #tpu.memory_space<vmem>> -> memref<1x128x128xf32, #tpu.memory_space<vmem>>
      %dma_start3A_199 = tpu.memref_squeeze %dma_start3A_198 : memref<1x128x128xf32, #tpu.memory_space<vmem>> -> memref<128x128xf32, #tpu.memory_space<vmem>>
      %dma_start3A_200 = arith.constant 0 : i32
      %dma_start3A_201 = tpu.memref_slice %arg6[%multiple_of3A_171, %dma_start3A_200] : memref<16384x128xf32, #tpu.memory_space<hbm>> -> memref<128x128xf32, #tpu.memory_space<hbm>>
      %dma_start3A_202 = arith.constant 0 : i32
      %dma_start3A_203 = tpu.memref_slice %arg6[%multiple_of3A_171, %dma_start3A_202] : memref<16384x128xf32, #tpu.memory_space<hbm>> -> memref<128x128xf32, #tpu.memory_space<hbm>>
      %dma_start3A_204 = arith.constant 0 : i32
      %dma_start3A_205 = arith.constant 0 : i32
      %dma_start3A_206 = tpu.memref_slice %arg10[%run_scoped3A_172, %dma_start3A_204, %dma_start3A_205] : memref<4x128x128xf32, #tpu.memory_space<vmem>> -> memref<1x128x128xf32, #tpu.memory_space<vmem>>
      %dma_start3A_207 = tpu.memref_squeeze %dma_start3A_206 : memref<1x128x128xf32, #tpu.memory_space<vmem>> -> memref<128x128xf32, #tpu.memory_space<vmem>>
      tpu.enqueue_dma source(%dma_start3A_207 : memref<128x128xf32, #tpu.memory_space<vmem>>) target(%dma_start3A_203 : memref<128x128xf32, #tpu.memory_space<hbm>>) target_semaphore(%run_scoped3A_195 : memref<!tpu.dma_semaphore, #tpu.memory_space<semaphore_mem>>)
      %dma_wait3A_208 = arith.constant 0 : i32
      %dma_wait3A_209 = arith.constant 0 : i32
      %dma_wait3A_210 = tpu.memref_slice %arg10[%run_scoped3A_172, %dma_wait3A_208, %dma_wait3A_209] : memref<4x128x128xf32, #tpu.memory_space<vmem>> -> memref<1x128x128xf32, #tpu.memory_space<vmem>>
      %dma_wait3A_211 = tpu.memref_squeeze %dma_wait3A_210 : memref<1x128x128xf32, #tpu.memory_space<vmem>> -> memref<128x128xf32, #tpu.memory_space<vmem>>
      %dma_wait3A_212 = arith.constant 0 : i32
      %dma_wait3A_213 = tpu.memref_slice %arg6[%multiple_of3A_171, %dma_wait3A_212] : memref<16384x128xf32, #tpu.memory_space<hbm>> -> memref<128x128xf32, #tpu.memory_space<hbm>>
      %dma_wait3A_214 = arith.constant 0 : i32
      %dma_wait3A_215 = tpu.memref_slice %arg6[%multiple_of3A_171, %dma_wait3A_214] : memref<16384x128xf32, #tpu.memory_space<hbm>> -> memref<128x128xf32, #tpu.memory_space<hbm>>
      %dma_wait3A_216 = arith.constant 0 : i32
      %dma_wait3A_217 = arith.constant 0 : i32
      %dma_wait3A_218 = tpu.memref_slice %arg10[%run_scoped3A_172, %dma_wait3A_216, %dma_wait3A_217] : memref<4x128x128xf32, #tpu.memory_space<vmem>> -> memref<1x128x128xf32, #tpu.memory_space<vmem>>
      %dma_wait3A_219 = tpu.memref_squeeze %dma_wait3A_218 : memref<1x128x128xf32, #tpu.memory_space<vmem>> -> memref<128x128xf32, #tpu.memory_space<vmem>>
      tpu.wait_dma2 semaphore(%run_scoped3A_195 : memref<!tpu.dma_semaphore, #tpu.memory_space<semaphore_mem>>) src(%dma_wait3A_219 : memref<128x128xf32, #tpu.memory_space<vmem>>) dst(%dma_wait3A_215 : memref<128x128xf32, #tpu.memory_space<hbm>>)
      tpu.yield
    }) : () -> ()
    %dma_wait3A_173 = arith.constant 3 : i32
    %dma_wait3A_174 = arith.constant 3 : i32
    %dma_wait3A_175 = arith.constant 0 : i32
    %dma_wait3A_176 = arith.constant 0 : i32
    %dma_wait3A_177 = tpu.memref_slice %arg10[%dma_wait3A_173, %dma_wait3A_175, %dma_wait3A_176] : memref<4x128x128xf32, #tpu.memory_space<vmem>> -> memref<1x128x128xf32, #tpu.memory_space<vmem>>
    %dma_wait3A_178 = tpu.memref_squeeze %dma_wait3A_177 : memref<1x128x128xf32, #tpu.memory_space<vmem>> -> memref<128x128xf32, #tpu.memory_space<vmem>>
    %dma_wait3A_179 = arith.constant 384 : i32
    %dma_wait3A_180 = tpu.memref_slice %arg9[%dma_wait3A_179] : memref<512xi32, #tpu.memory_space<vmem>> -> memref<128xi32, #tpu.memory_space<vmem>>
    %dma_wait3A_181 = arith.constant 0 : i32
    %dma_wait3A_182 = arith.constant 0 : i32
    %dma_wait3A_183 = tpu.memref_slice %arg2[%dma_wait3A_181, %dma_wait3A_182] : memref<100000x128xf32, #tpu.memory_space<hbm>> -> memref<100000x128xf32, #tpu.memory_space<hbm>>
    %dma_wait3A_184 = tpu.memref_slice %arg13[%dma_wait3A_174] : memref<4x!tpu.dma_semaphore, #tpu.memory_space<semaphore_mem>> -> memref<1x!tpu.dma_semaphore, #tpu.memory_space<semaphore_mem>>
    %dma_wait3A_185 = tpu.memref_squeeze %dma_wait3A_184 : memref<1x!tpu.dma_semaphore, #tpu.memory_space<semaphore_mem>> -> memref<!tpu.dma_semaphore, #tpu.memory_space<semaphore_mem>>
    tpu.wait_indirect_dma semaphore(%dma_wait3A_185 : memref<!tpu.dma_semaphore, #tpu.memory_space<semaphore_mem>>) src(%dma_wait3A_183 : memref<100000x128xf32, #tpu.memory_space<hbm>>) dst(%dma_wait3A_178 : memref<128x128xf32, #tpu.memory_space<vmem>>)
    %add3A_186 = arith.constant 384 : i32
    %add3A_187 = arith.addi %mul3A_2, %add3A_186 : i32
    %multiple_of3A_188 = tpu.assume_multiple %add3A_187, 128 : i32
    %run_scoped3A_189 = arith.constant 3 : i32
    "tpu.region"() ({
      %run_scoped3A_195 = tpu.sem_alloc : memref<!tpu.dma_semaphore, #tpu.memory_space<semaphore_mem>>
      %dma_start3A_196 = arith.constant 0 : i32
      %dma_start3A_197 = arith.constant 0 : i32
      %dma_start3A_198 = tpu.memref_slice %arg10[%run_scoped3A_189, %dma_start3A_196, %dma_start3A_197] : memref<4x128x128xf32, #tpu.memory_space<vmem>> -> memref<1x128x128xf32, #tpu.memory_space<vmem>>
      %dma_start3A_199 = tpu.memref_squeeze %dma_start3A_198 : memref<1x128x128xf32, #tpu.memory_space<vmem>> -> memref<128x128xf32, #tpu.memory_space<vmem>>
      %dma_start3A_200 = arith.constant 0 : i32
      %dma_start3A_201 = tpu.memref_slice %arg6[%multiple_of3A_188, %dma_start3A_200] : memref<16384x128xf32, #tpu.memory_space<hbm>> -> memref<128x128xf32, #tpu.memory_space<hbm>>
      %dma_start3A_202 = arith.constant 0 : i32
      %dma_start3A_203 = tpu.memref_slice %arg6[%multiple_of3A_188, %dma_start3A_202] : memref<16384x128xf32, #tpu.memory_space<hbm>> -> memref<128x128xf32, #tpu.memory_space<hbm>>
      %dma_start3A_204 = arith.constant 0 : i32
      %dma_start3A_205 = arith.constant 0 : i32
      %dma_start3A_206 = tpu.memref_slice %arg10[%run_scoped3A_189, %dma_start3A_204, %dma_start3A_205] : memref<4x128x128xf32, #tpu.memory_space<vmem>> -> memref<1x128x128xf32, #tpu.memory_space<vmem>>
      %dma_start3A_207 = tpu.memref_squeeze %dma_start3A_206 : memref<1x128x128xf32, #tpu.memory_space<vmem>> -> memref<128x128xf32, #tpu.memory_space<vmem>>
      tpu.enqueue_dma source(%dma_start3A_207 : memref<128x128xf32, #tpu.memory_space<vmem>>) target(%dma_start3A_203 : memref<128x128xf32, #tpu.memory_space<hbm>>) target_semaphore(%run_scoped3A_195 : memref<!tpu.dma_semaphore, #tpu.memory_space<semaphore_mem>>)
      %dma_wait3A_208 = arith.constant 0 : i32
      %dma_wait3A_209 = arith.constant 0 : i32
      %dma_wait3A_210 = tpu.memref_slice %arg10[%run_scoped3A_189, %dma_wait3A_208, %dma_wait3A_209] : memref<4x128x128xf32, #tpu.memory_space<vmem>> -> memref<1x128x128xf32, #tpu.memory_space<vmem>>
      %dma_wait3A_211 = tpu.memref_squeeze %dma_wait3A_210 : memref<1x128x128xf32, #tpu.memory_space<vmem>> -> memref<128x128xf32, #tpu.memory_space<vmem>>
      %dma_wait3A_212 = arith.constant 0 : i32
      %dma_wait3A_213 = tpu.memref_slice %arg6[%multiple_of3A_188, %dma_wait3A_212] : memref<16384x128xf32, #tpu.memory_space<hbm>> -> memref<128x128xf32, #tpu.memory_space<hbm>>
      %dma_wait3A_214 = arith.constant 0 : i32
      %dma_wait3A_215 = tpu.memref_slice %arg6[%multiple_of3A_188, %dma_wait3A_214] : memref<16384x128xf32, #tpu.memory_space<hbm>> -> memref<128x128xf32, #tpu.memory_space<hbm>>
      %dma_wait3A_216 = arith.constant 0 : i32
      %dma_wait3A_217 = arith.constant 0 : i32
      %dma_wait3A_218 = tpu.memref_slice %arg10[%run_scoped3A_189, %dma_wait3A_216, %dma_wait3A_217] : memref<4x128x128xf32, #tpu.memory_space<vmem>> -> memref<1x128x128xf32, #tpu.memory_space<vmem>>
      %dma_wait3A_219 = tpu.memref_squeeze %dma_wait3A_218 : memref<1x128x128xf32, #tpu.memory_space<vmem>> -> memref<128x128xf32, #tpu.memory_space<vmem>>
      tpu.wait_dma2 semaphore(%run_scoped3A_195 : memref<!tpu.dma_semaphore, #tpu.memory_space<semaphore_mem>>) src(%dma_wait3A_219 : memref<128x128xf32, #tpu.memory_space<vmem>>) dst(%dma_wait3A_215 : memref<128x128xf32, #tpu.memory_space<hbm>>)
      tpu.yield
    }) : () -> ()
    %mul3A_190 = arith.constant 256 : i32
    %mul3A_191 = arith.muli %arg1, %mul3A_190 : i32
    %add3A_192 = arith.constant 256 : i32
    %add3A_193 = arith.addi %mul3A_2, %add3A_192 : i32
    %multiple_of3A_194 = tpu.assume_multiple %add3A_193, 128 : i32
    "tpu.region"() ({
      %run_scoped3A_195 = tpu.sem_alloc : memref<!tpu.dma_semaphore, #tpu.memory_space<semaphore_mem>>
      %dma_start3A_196 = arith.constant 0 : i32
      %dma_start3A_197 = tpu.memref_slice %arg7[%multiple_of3A_194, %dma_start3A_196] : memref<16384x128xf32, #tpu.memory_space<hbm>> -> memref<256x128xf32, #tpu.memory_space<hbm>>
      %dma_start3A_198 = arith.constant 0 : i32
      %dma_start3A_199 = tpu.memref_slice %arg12[%mul3A_191, %dma_start3A_198] : memref<4096x128xf32, #tpu.memory_space<vmem_shared>> -> memref<256x128xf32, #tpu.memory_space<vmem_shared>>
      tpu.enqueue_dma source(%dma_start3A_199 : memref<256x128xf32, #tpu.memory_space<vmem_shared>>) target(%dma_start3A_197 : memref<256x128xf32, #tpu.memory_space<hbm>>) target_semaphore(%run_scoped3A_195 : memref<!tpu.dma_semaphore, #tpu.memory_space<semaphore_mem>>)
      %dma_wait3A_200 = arith.constant 0 : i32
      %dma_wait3A_201 = tpu.memref_slice %arg7[%multiple_of3A_194, %dma_wait3A_200] : memref<16384x128xf32, #tpu.memory_space<hbm>> -> memref<256x128xf32, #tpu.memory_space<hbm>>
      %dma_wait3A_202 = arith.constant 0 : i32
      %dma_wait3A_203 = tpu.memref_slice %arg12[%mul3A_191, %dma_wait3A_202] : memref<4096x128xf32, #tpu.memory_space<vmem_shared>> -> memref<256x128xf32, #tpu.memory_space<vmem_shared>>
      tpu.wait_dma2 semaphore(%run_scoped3A_195 : memref<!tpu.dma_semaphore, #tpu.memory_space<semaphore_mem>>) src(%dma_wait3A_203 : memref<256x128xf32, #tpu.memory_space<vmem_shared>>) dst(%dma_wait3A_201 : memref<256x128xf32, #tpu.memory_space<hbm>>)
      tpu.yield
    }) : () -> ()
    return
  }
}

module attributes {stable_mosaic.version = 14 : i64} {
  func.func @body(%arg0: memref<16384x128xf32, #tpu.memory_space<vmem>>, %arg1: memref<16384x128xf32, #tpu.memory_space<vmem>>, %arg2: memref<128x256xf32, #tpu.memory_space<vmem>>, %arg3: memref<1x128xf32, #tpu.memory_space<vmem>>, %arg4: memref<1x128xf32, #tpu.memory_space<vmem>>, %arg5: memref<1x128xf32, #tpu.memory_space<vmem>>, %arg6: memref<16384x128xf32, #tpu.memory_space<vmem>>) attributes {dimension_semantics = [], scalar_prefetch = 0 : i64, scratch_operands = 0 : i64, tpu.core_type = #tpu.core_type<tc>} {
    %get3A = arith.constant 0 : index
    %get3A_0 = arith.constant 0 : index
    %get3A_1 = vector.load %arg0[%get3A, %get3A_0] : memref<16384x128xf32, #tpu.memory_space<vmem>>, vector<16384x128xf32>
    %get3A_2 = arith.constant 0 : index
    %get3A_3 = arith.constant 0 : index
    %get3A_4 = vector.load %arg1[%get3A_2, %get3A_3] : memref<16384x128xf32, #tpu.memory_space<vmem>>, vector<16384x128xf32>
    %mul3A = arith.constant 3.125000e-02 : f32
    %mul3A_5 = vector.broadcast %mul3A : f32 to vector<16384x128xf32>
    %mul3A_6 = arith.mulf %get3A_4, %mul3A_5 : vector<16384x128xf32>
    %get3A_7 = arith.constant 0 : index
    %get3A_8 = arith.constant 0 : index
    %get3A_9 = vector.load %arg2[%get3A_7, %get3A_8] : memref<128x256xf32, #tpu.memory_space<vmem>>, vector<128x256xf32>
    %slice3A = vector.extract_strided_slice %get3A_9 {offsets = [0, 0], sizes = [128, 128], strides = [1, 1]} : vector<128x256xf32> to vector<128x128xf32>
    %dot_general3A = arith.constant dense<0.000000e+00> : vector<16384x128xf32>
    %dot_general3A_10 = tpu.matmul %get3A_1, %slice3A, %dot_general3A {dimension_numbers = #tpu.dot_dimension_numbers<[1], [1], [0], [0], [0, 0, 1, 0], [], []>, transpose_lhs_hint = false} : vector<16384x128xf32>, vector<128x128xf32>, vector<16384x128xf32> -> vector<16384x128xf32>
    %slice3A_11 = vector.extract_strided_slice %get3A_9 {offsets = [0, 128], sizes = [128, 128], strides = [1, 1]} : vector<128x256xf32> to vector<128x128xf32>
    %dot_general3A_12 = arith.constant dense<0.000000e+00> : vector<16384x128xf32>
    %dot_general3A_13 = tpu.matmul %mul3A_6, %slice3A_11, %dot_general3A_12 {dimension_numbers = #tpu.dot_dimension_numbers<[1], [1], [0], [0], [0, 0, 1, 0], [], []>, transpose_lhs_hint = false} : vector<16384x128xf32>, vector<128x128xf32>, vector<16384x128xf32> -> vector<16384x128xf32>
    %add3A = arith.addf %dot_general3A_10, %dot_general3A_13 : vector<16384x128xf32>
    %get3A_14 = arith.constant 0 : index
    %get3A_15 = arith.constant 0 : index
    %get3A_16 = vector.load %arg3[%get3A_14, %get3A_15] : memref<1x128xf32, #tpu.memory_space<vmem>>, vector<1x128xf32>
    %add3A_17 = vector.broadcast %get3A_16 : vector<1x128xf32> to vector<16384x128xf32>
    %add3A_18 = arith.addf %add3A, %add3A_17 : vector<16384x128xf32>
    %reduce_sum3A = arith.constant dense<0.000000e+00> : vector<128xf32>
    %reduce_sum3A_19 = vector.multi_reduction <add>, %add3A_18, %reduce_sum3A [0] : vector<16384x128xf32> to vector<128xf32>
    %broadcast_in_dim3A = vector.shape_cast %reduce_sum3A_19 : vector<128xf32> to vector<1x128xf32>
    %div3A = arith.constant 1.638400e+04 : f32
    %div3A_20 = vector.broadcast %div3A : f32 to vector<1x128xf32>
    %div3A_21 = arith.divf %broadcast_in_dim3A, %div3A_20 : vector<1x128xf32>
    %sub3A = vector.broadcast %div3A_21 : vector<1x128xf32> to vector<16384x128xf32>
    %sub3A_22 = arith.subf %add3A_18, %sub3A : vector<16384x128xf32>
    %mul3A_23 = arith.mulf %sub3A_22, %sub3A_22 : vector<16384x128xf32>
    %reduce_sum3A_24 = arith.constant dense<0.000000e+00> : vector<128xf32>
    %reduce_sum3A_25 = vector.multi_reduction <add>, %mul3A_23, %reduce_sum3A_24 [0] : vector<16384x128xf32> to vector<128xf32>
    %broadcast_in_dim3A_26 = vector.shape_cast %reduce_sum3A_25 : vector<128xf32> to vector<1x128xf32>
    %div3A_27 = arith.constant 1.638400e+04 : f32
    %div3A_28 = vector.broadcast %div3A_27 : f32 to vector<1x128xf32>
    %div3A_29 = arith.divf %broadcast_in_dim3A_26, %div3A_28 : vector<1x128xf32>
    %add3A_30 = arith.constant 9.99999974E-6 : f32
    %add3A_31 = vector.broadcast %add3A_30 : f32 to vector<1x128xf32>
    %add3A_32 = arith.addf %div3A_29, %add3A_31 : vector<1x128xf32>
    %rsqrt3A = math.rsqrt %add3A_32 : vector<1x128xf32>
    %mul3A_33 = vector.broadcast %rsqrt3A : vector<1x128xf32> to vector<16384x128xf32>
    %mul3A_34 = arith.mulf %sub3A_22, %mul3A_33 : vector<16384x128xf32>
    %get3A_35 = arith.constant 0 : index
    %get3A_36 = arith.constant 0 : index
    %get3A_37 = vector.load %arg4[%get3A_35, %get3A_36] : memref<1x128xf32, #tpu.memory_space<vmem>>, vector<1x128xf32>
    %mul3A_38 = vector.broadcast %get3A_37 : vector<1x128xf32> to vector<16384x128xf32>
    %mul3A_39 = arith.mulf %mul3A_34, %mul3A_38 : vector<16384x128xf32>
    %get3A_40 = arith.constant 0 : index
    %get3A_41 = arith.constant 0 : index
    %get3A_42 = vector.load %arg5[%get3A_40, %get3A_41] : memref<1x128xf32, #tpu.memory_space<vmem>>, vector<1x128xf32>
    %add3A_43 = vector.broadcast %get3A_42 : vector<1x128xf32> to vector<16384x128xf32>
    %add3A_44 = arith.addf %mul3A_39, %add3A_43 : vector<16384x128xf32>
    %max3A = arith.constant 0.000000e+00 : f32
    %max3A_45 = vector.broadcast %max3A : f32 to vector<16384x128xf32>
    %max3A_46 = arith.maximumf %add3A_44, %max3A_45 : vector<16384x128xf32>
    %swap3A = arith.constant 0 : index
    %swap3A_47 = arith.constant 0 : index
    %swap3A_48 = vector.load %arg6[%swap3A, %swap3A_47] : memref<16384x128xf32, #tpu.memory_space<vmem>>, vector<16384x128xf32>
    tpu.vector_store %arg6[%swap3A, %swap3A_47], %max3A_46 {strides = array<i32>} : memref<16384x128xf32, #tpu.memory_space<vmem>>, vector<16384x128xf32>,
    return
  }
}

</mosaic_0001>

<sc_bundles>
// kernel: kernel.4.cloned.1.call-start
scs
__scs_entry_jumppad:
0x0: {  	(pc) =	sbr.rel $0x88, $3  }
0x1: {  	(tag) =	ssettag $0x0;
	lr =	simm.s32 $0x1  }
0x2: {  	[smem:$0x3F9A] =	sst lr;
	_ =	strace $0xD0000000  }
0x3: {  	_ = 	snop  }
0x4: {  	_ = 	snop  }
0x5: {  	_ = 	snop  }
0x6: {  	_ = 	snop  }
0x7: {  	_ = 	snop  }
__scs_overlays_trampoline_lowered:
0x8: {  	[smem:$0x3FA9] =	sst s0  }
0x9: {  	[smem:$0x3FAA] =	sst s1  }
0xa: {  	[smem:$0x3FAB] =	sst s2  }
0xb: {  	[smem:$0x3FAC] =	sst s3  }
0xc: {  	[smem:$0x3FAD] =	sst s4  }
0xd: {  	[smem:$0x3FAE] =	sst s5  }
0xe: {  	[smem:$0x3FAF] =	sst s6  }
0xf: {  	[smem:$0x3FB0] =	sst s7  }
0x10: {  	[smem:$0x3FB1] =	sst s8  }
0x11: {  	[smem:$0x3FB2] =	sst s9;
	s0 =	simm.s32 @!p0 $0x0  }
0x12: {  	s1 =	sld [smem:$0x3F98];
	s0 =	simm.s32 @p0 $0x1  }
0x13: {  	[smem:$0x3FB3] =	sst s0;
	s0 =	simm.s32 @!p1 $0x0  }
0x14: {  	s2 =	sld [smem:$0x3F97];
	s0 =	simm.s32 @p1 $0x1  }
0x15: {  	[smem:$0x3FB4] =	sst s0;
	s0 =	simm.s32 @!p2 $0x0  }
0x16: {  	s3 =	sld [smem:$0x3FDB];
	s0 =	simm.s32 @p2 $0x1  }
0x17: {  	s4 =	simm.s32 $0x1BF5;
	[smem:$0x3FB6] =	sst s0  }
0x18: {  	s0 =	sld [smem:$0x3F99];
	_ =	swait.ge [sflag:s4], $0x0  }
0x19: {  	s7 =	sld [smem:$0x3F9A]  }
0x1a: {  	s8 =	sadd.s32 $0xFFFFE003, lr  }
0x1b: {  	s9 =	sadd.s32 $0xFFFFFEF7, lr;
	s5 =	simm.s32 $0xFFFFFFFF;
	p2 =	slt.u32 s8, $0xFFFFF086  }
0x1c: {  	p1 =	slt.u32 s9, $0xF7A;
	s5 =	simm.s32 @!p2 $0x0  }
0x1d: {  	s5 =	simm.s32 @p1 $0x1;
	p0 =	seq.s32 s7, s2  }
0x1e: {  	s7 =	smul.u32 @!p0 $0xF7A, s2;
	p2 =	seq.s32 @!p0 s5, $0x0  }
0x1f: {  	s9 =	smul.u32 $0xF7A, s1;
	s8 =	simm.s32 @!p0 $0x1BF5;
	p2 =	por !p2, p0  }
0x20: {  	[sflag:s8] =	ssyncset.s32 @!p0 $0xFFFFF086;
	s6 =	sadd.s32 @!p0 s3, s7;
	s7 =	simm.s32 @!p0 $0x108  }
0x21: {  	s3 =	sadd.s32 s3, s9;
	s6 =	sadd.s32 @!p0 $0x88, s6;
	s7 =	simm.s32 @p2 $0x1082  }
0x22: {  	[simem:s7], [sflag:s8] =	dma.local @!p0 [hbm:s6], $0xF7A  }
0x23: {  	s9 =	sor.u32 $0xD0000000, s2;
	s6 =	simm.s32 $0x108;
	_ =	swait.ge @!p0 [sflag:s8], $0x0  }
0x24: {  	s3 =	sadd.s32 $0x88, s3;
	s6 =	simm.s32 @!p1 $0x1082;
	[sflag:s4] =	ssyncset.s32 $0xFFFFF086  }
0x25: {  	[simem:s6], [sflag:s4] =	dma.local [hbm:s3], $0xF7A  }
0x26: {  	[smem:$0x3F9A] =	sst s1;
	(tag) =	ssettag s2;
	_ =	strace s9  }
0x27: {  	s1 =	sld [smem:$0x3FAA]  }
0x28: {  	s2 =	sld [smem:$0x3FAB]  }
0x29: {  	s4 =	sld [smem:$0x3FAD]  }
0x2a: {  	p0 =	seq.s32 s5, $0x0;
	s5 =	sld [smem:$0x3FAE]  }
0x2b: {  	s6 =	sld [smem:$0x3FAF]  }
0x2c: {  	s7 =	sld [smem:$0x3FB0]  }
0x2d: {  	s3 =	simm.s32 $0x108;
	s8 =	sld [smem:$0x3FB1]  }
0x2e: {  	s3 =	simm.s32 @!p0 $0x1082;
	s9 =	sld [smem:$0x3FB2]  }
0x2f: {  	lr =	sadd.s32 s0, s3;
	s0 =	sld [smem:$0x3FA9]  }
0x30: {  	s3 =	sld [smem:$0x3FAC]  }
0x31: {  	[smem:$0x3FB5] =	sst s10  }
0x32: {  	s10 =	sld [smem:$0x3FB3];
	_ =	sdelay $0x3  }
0x33: {  	p0 =	seq.s32 s10, $0x1;
	s10 =	sld [smem:$0x3FB5];
	_ =	sdelay $0x3  }
0x34: {  	[smem:$0x3FB5] =	sst s10  }
0x35: {  	s10 =	sld [smem:$0x3FB4];
	_ =	sdelay $0x3  }
0x36: {  	p1 =	seq.s32 s10, $0x1;
	s10 =	sld [smem:$0x3FB5];
	_ =	sdelay $0x3  }
0x37: {  	[smem:$0x3FB5] =	sst s10  }
0x38: {  	s10 =	sld [smem:$0x3FB6]  }
0x39: {  	_ = 	snop;
	(pc) =	sbr.ind lr, $3  }
0x3a: {  	_ = 	snop  }
0x3b: {  	_ = 	snop  }
0x3c: {  	p2 =	seq.s32 s10, $0x1;
	s10 =	sld [smem:$0x3FB5]  }
0x3d: {  	_ =	shalt  }
0x3e: {  	_ =	shalt  }
0x3f: {  	_ =	shalt  }
0x40: {  	_ =	shalt  }
0x41: {  	_ =	shalt  }
0x42: {  	_ =	shalt  }
0x43: {  	_ =	shalt  }
0x44: {  	_ =	shalt  }
0x45: {  	_ =	shalt  }
0x46: {  	_ =	shalt  }
0x47: {  	_ =	shalt  }
0x48: {  	_ =	shalt  }
0x49: {  	_ =	shalt  }
0x4a: {  	_ =	shalt  }
0x4b: {  	_ =	shalt  }
0x4c: {  	_ =	shalt  }
0x4d: {  	_ =	shalt  }
0x4e: {  	_ =	shalt  }
0x4f: {  	_ =	shalt  }
0x50: {  	_ =	shalt  }
0x51: {  	_ =	shalt  }
0x52: {  	_ =	shalt  }
0x53: {  	_ =	shalt  }
0x54: {  	_ =	shalt  }
0x55: {  	_ =	shalt  }
0x56: {  	_ =	shalt  }
0x57: {  	_ =	shalt  }
0x58: {  	_ =	shalt  }
0x59: {  	_ =	shalt  }
0x5a: {  	_ =	shalt  }
0x5b: {  	_ =	shalt  }
0x5c: {  	_ =	shalt  }
0x5d: {  	_ =	shalt  }
0x5e: {  	_ =	shalt  }
0x5f: {  	_ =	shalt  }
0x60: {  	_ =	shalt  }
0x61: {  	_ =	shalt  }
0x62: {  	_ =	shalt  }
0x63: {  	_ =	shalt  }
0x64: {  	_ =	shalt  }
0x65: {  	_ =	shalt  }
0x66: {  	_ =	shalt  }
0x67: {  	_ =	shalt  }
0x68: {  	_ =	shalt  }
0x69: {  	_ =	shalt  }
0x6a: {  	_ =	shalt  }
0x6b: {  	_ =	shalt  }
0x6c: {  	_ =	shalt  }
0x6d: {  	_ =	shalt  }
0x6e: {  	_ =	shalt  }
0x6f: {  	_ =	shalt  }
0x70: {  	_ =	shalt  }
0x71: {  	_ =	shalt  }
0x72: {  	_ =	shalt  }
0x73: {  	_ =	shalt  }
0x74: {  	_ =	shalt  }
0x75: {  	_ =	shalt  }
0x76: {  	_ =	shalt  }
0x77: {  	_ =	shalt  }
0x78: {  	_ =	shalt  }
0x79: {  	_ =	shalt  }
0x7a: {  	_ =	shalt  }
0x7b: {  	_ =	shalt  }
0x7c: {  	_ =	shalt  }
0x7d: {  	_ =	shalt  }
0x7e: {  	_ =	shalt  }
0x7f: {  	_ =	shalt  }
0x80: {  	_ =	shalt  }
0x81: {  	_ =	shalt  }
0x82: {  	_ =	shalt  }
0x83: {  	_ =	shalt  }
0x84: {  	_ =	shalt  }
0x85: {  	_ =	shalt  }
0x86: {  	_ =	shalt  }
0x87: {  	_ =	shalt  }
.Lfunc_end0:
.L_simem_size_0:
called_computation_lowered:
.L_overlay_start_0:
0x88: {  	s2 =	sld [smem:$0x3FD9]  }
0x89: {  	s3 =	sld [smem:$0x3FFE];
	_ =	sdelay $0x1  }
0x8a: {  	s1 =	srdreg.scid  }
0x8b: {  	s0 =	sand.u32 $0x1, s1  }
0x8c: {  	s17 =	sshll.u32 s0, $0xA;
	s2 =	sadd.s32 s3, s2  }
0x8d: {  	s2 =	sadd.s32 s2, s17  }
0x8e: {  	[smem:$0x3FC1] =	sst s2  }
0x8f: {  	_ = 	snop  }
0x90: {  	s2 =	sld [smem:$0x3FC9]  }
0x91: {  	s18 =	sld [smem:$0x3FC7]  }
0x92: {  	s4 =	sld [smem:$0x3FD0];
	(tm) =	ssettm $0x1  }
0x93: {  	s5 =	sld [smem:$0x3FFB];
	_ =	sdelay $0x3  }
0x94: {  	_ =	strace s5  }
0x95: {  	s5 =	sld [smem:$0x3FFC];
	_ =	sdelay $0x3  }
0x96: {  	_ =	strace s5  }
0x97: {  	s5 =	sld [smem:$0x3FFD];
	_ =	sdelay $0x3  }
0x98: {  	_ =	strace s5  }
0x99: {  	_ =	strace $0x8FFFFFFF  }
0x9a: {  	s19 =	sld [smem:$0x3FDB];
	_ =	sdelay $0x1  }
0x9b: {  	s6 =	simm.s32 $_scs_section_size  }
0x9c: {  	s7 =	simm.s32 $_size__tile_overlayer_lowered;
	s8 =	simm.s32 $_tile_overlayer_lowered  }
0x9d: {  	s22 =	simm.s32 $0x1BFF;
	s21 =	sshll.u32 s8, $0x1;
	s5 =	sadd.s32 s6, s19  }
0x9e: {  	s9 =	simm.s32 $0x0;
	s20 =	sshll.u32 s7, $0x1;
	s7 =	sadd.s32 s21, s5  }
0x9f: {  	[timem:s9], [sflag:s22] =	dma.local [hbm:s7], s20  }
0xa0: {  	_ =	swait.ge [sflag:s22], s20  }
0xa1: {  	s6 =	ssub.s32 $0x0, s20;
	[sflag:s22] =	ssyncset.done $0x0  }
0xa2: {  	[sflag:s22] =	ssyncadd.s32 s6;
	_ =	sdelay $0x1  }
0xa3: {  	s23 =	simm.s32 $0x1B8B  }
0xa4: {  	_ =	swait.ge [sflag:s23], $0x1  }
0xa5: {  	[sflag:s23] =	ssyncset.done $0x0  }
0xa6: {  	s25 =	simm.s32 $0x1B8E;
	s24 =	sld [smem:$0x3FFE];
	[sflag:s23] =	ssyncadd.s32 $0xFFFFFFFF  }
0xa7: {  	s26 =	simm.s32 $execute0_lowered;
	[smem:$0x3FD2] =	sst s25  }
0xa8: {  	s7 =	sshll.u32 s26, $0x1;
	_ =	strace $0x80000046;
	[dreg:$0x1] =	wrdreg $0xFFFFFFFF  }
0xa9: {  	s28 =	simm.s32 $_size_execute0_lowered;
	s5 =	sadd.s32 s5, s7;
	[dreg:$0x0] =	wrdreg $0x0  }
0xaa: {  	s7 =	sshll.u32 s28, $0x1;
	[dreg:$0x2] =	wrdreg s5  }
0xab: {  	[dreg:$0x3] =	wrdreg s7  }
0xac: {  	[dreg:$0x4] =	wrdreg $0xC0  }
0xad: {  	_ =	task [dreg:s9], $0x5FFFF  }
0xae: {  	[dreg:$0x1] =	wrdreg $0xFFFFFFFF  }
0xaf: {  	[dreg:$0x0] =	wrdreg $0x60  }
0xb0: {  	[dreg:$0x2] =	wrdreg s18  }
0xb1: {  	[dreg:$0x3] =	wrdreg s24  }
0xb2: {  	[dreg:$0x4] =	wrdreg s2  }
0xb3: {  	[dreg:$0x5] =	wrdreg s4  }
0xb4: {  	[dreg:$0x6] =	wrdreg $0x144000  }
0xb5: {  	[dreg:$0x7] =	wrdreg $0x9  }
0xb6: {  	_ =	task.clear_ibuf [dreg:s9], $0x8FFFF;
	_ =	strace $0x90000046  }
0xb7: {  	s29 =	simm.s32 $0x9;
	_ =	strace $0x80000048  }
0xb8: {  	_ =	swait.ge [sflag:s29], $0x1  }
0xb9: {  	[sflag:s29] =	ssyncadd.s32 $0xFFFFFFFF  }
0xba: {  	_ =	strace $0x90000048  }
0xbb: {  	_ =	sfence  }
0xbc: {  	s30 =	sld [smem:$0x0];
	_ =	sdelay $0x2  }
0xbd: {  	s31 =	sshll.u32 s1, $0xD;
	s1 =	sshrl.u32 s1, $0x2  }
0xbe: {  	s3 =	sand.u32 $0x4000, s31;
	s1 =	sadd.s32 s1, s30  }
0xbf: {  	s0 =	sor.u32 s3, s0;
	s1 =	sshll.u32 s1, $0x11  }
0xc0: {  	s0 =	sor.u32 s1, s0  }
0xc1: {  	s0 =	sadd.s32 $0x8F2B, s0  }
0xc2: {  	[sflag:s0] =	ssyncadd.remote.s32 $0x1  }
0xc3: {  	_ =	sfence.sel $0xFFFF  }
0xc4: {  	[dreg:$0x0] =	wrdreg $0xFFFFFFFF;
	(pc) =	sbr.abs _section_cstart, $3  }
0xc5: {  	[dreg:$0x1] =	wrdreg $0xFFFFFFFF  }
0xc6: {  	_ =	task.clear_ibuf [dreg:s9], $0x2FFFF;
	_ =	strace $0x9FFFFFFF  }
0xc7: {  	(tm) =	ssettm $0x7FFFFFFF  }
tec
execute0_lowered:
.L_overlay_start_1:
0x0: {  	(tag) =	ssettag $0x1  }
0x1: {  	s0 =	rddreg [dreg:$0x0]  }
0x2: {  	s1 =	rddreg [dreg:$0x1]  }
0x3: {  	s6 =	rddreg [dreg:$0x2]  }
0x4: {  	s9 =	rddreg [dreg:$0x3]  }
0x5: {  	s2 =	srdreg.scid;
	s3 =	rddreg [dreg:$0x4];
	s18 =	simm.s32 $0x0  }
0x6: {  	s30 =	simm.s32 $0x4000;
	s29 =	simm.s32 $0x10200;
	s31 =	simm.s32 $0x1  }
0x7: {  	s28 =	simm.s32 $0x14280;
	s14 =	simm.s32 $0x5;
	s15 =	simm.s32 $0x6  }
0x8: {  	s16 =	simm.s32 $0x7;
	s5 =	sand.u32 $0x1, s2;
	[smem:$0x7FF] =	sst s18  }
0x9: {  	s2 =	stileid.u32;
	s7 =	sshll.u32 s5, $0x4;
	_ =	strace $0x80000047  }
0xa: {  	s17 =	ssub.s32 $0x2, s5;
	s5 =	sadd.s32 $0x11400, s1;
	s19 =	sshll.u32 s2, $0xF  }
0xb: {  	s4 =	sshll.u32 s2, $0x6;
	s10 =	sor.u32 s2, s7;
	s8 =	sshrl.u32 s17, $0x1  }
0xc: {  	[dreg:$0x6] =	wrdreg s4;
	s4 =	sor.u32 $0x1C09, s4;
	s7 =	sshll.u32 s10, $0xB  }
0xd: {  	s12 =	ssub.s32 s17, s8;
	s8 =	sadd.s32 s19, s3;
	[dreg:$0x7] =	wrdreg s4  }
0xe: {  	s21 =	sshll.u32 s10, $0x6;
	s10 =	sshll.u32 s10, $0xD;
	s17 =	simm.s32 $0x8  }
0xf: {  	s11 =	sadd.s32 s7, s1;
	s1 =	sadd.s32 $0x12400, s1;
	s7 =	sshll.u32 s2, $0x8  }
0x10: {  	s22 =	sadd.s32 s6, s21;
	s23 =	sadd.s32 s9, s10;
	s24 =	sor.u32 $0x1000, s10  }
0x11: {  	s26 =	smax.u32 s12, $0x1;
	s12 =	sshrl.u32 s8, $0x3;
	[dreg:$0x9] =	wrdreg s22  }
0x12: {  	s6 =	simm.s32 $0x14380;
	s21 =	simm.s32 $0x0;
	[dreg:$0xa] =	wrdreg s23  }
0x13: {  	s20 =	sadd.s32 $0x1400, s11;
	s13 =	sadd.s32 s1, s10;
	[dreg:$0xf] =	wrdreg s26  }
0x14: {  	s25 =	sadd.s32 $0x800, s23;
	s9 =	sadd.s32 s9, s24;
	[dreg:$0x10] =	wrdreg s12  }
0x15: {  	s4 =	sadd.s32 $0x1800, s23;
	s1 =	sadd.s32 s1, s24;
	[dreg:$0x8] =	wrdreg s20  }
.Ltmp0:
0x16: {  	s22 =	simm.s32 $0x80;
	[dreg:$0xb] =	wrdreg s25;
	(pc) =	sbr.rel .LBB2_1-.Ltmp0, $4  }
0x17: {  	s23 =	simm.s32 $0x4200;
	s24 =	simm.s32 $0x8200;
	[dreg:$0xc] =	wrdreg s9  }
0x18: {  	s26 =	simm.s32 $0xC200;
	s10 =	simm.s32 $0x14300;
	[dreg:$0xd] =	wrdreg s4  }
0x19: {  	s11 =	simm.s32 $0x4;
	[dreg:$0xe] =	wrdreg s1;
	s20 =	simm.s32 $0xA  }
0x1a: {  	s1 =	simm.s32 $0x14200;
	s25 =	simm.s32 $0x2;
	s9 =	simm.s32 $0x3  }
.LBB2_4:
0x1b: {  	_ =	swait.ge [sflag:s15], $0x4000  }
0x1c: {  	[sflag:s15] =	ssyncset.done $0x0  }
0x1d: {  	[sflag:s15] =	ssyncadd.s32 $0xFFFFC000  }
0x1e: {  	_ =	swait.ge [sflag:s16], $0x4000  }
0x1f: {  	[sflag:s16] =	ssyncset.done $0x0  }
0x20: {  	[sflag:s16] =	ssyncadd.s32 $0xFFFFC000  }
0x21: {  	_ =	swait.ge [sflag:s17], $0x4000  }
0x22: {  	[sflag:s17] =	ssyncset.done $0x0  }
0x23: {  	s30 =	simm.s32 $0x4000;
	[sflag:s17] =	ssyncadd.s32 $0xFFFFC000  }
0x24: {  	[tilespmem:s23], [sflag:$0x1] =	stream.indirect.gather [hbm4b:s0+s22], $0x80, s30, s22, $0xb8;
	[tilespmem:$0x1C400] =	vst v63  }
0x25: {  	s4 =	simm.s32 $0x4080  }
0x26: {  	[tilespmem:s24], [sflag:$0x2] =	stream.indirect.gather [hbm4b:s0+s22], $0x80, s4, s22, $0xb8;
	[tilespmem:$0x1C400] =	vst v63  }
0x27: {  	s18 =	simm.s32 $0x4100  }
0x28: {  	[tilespmem:s26], [sflag:$0x3] =	stream.indirect.gather [hbm4b:s0+s22], $0x80, s18, s22, $0xb8;
	[tilespmem:$0x1C400] =	vst v63  }
0x29: {  	s19 =	simm.s32 $0x4180  }
0x2a: {  	[tilespmem:s29], [sflag:$0x4] =	stream.indirect.gather [hbm4b:s0+s22], $0x80, s19, s22, $0xb8;
	[tilespmem:$0x1C400] =	vst v63  }
0x2b: {  	_ =	swait.ge [sflag:s31], $0x4000  }
0x2c: {  	[sflag:s31] =	ssyncset.done $0x0  }
0x2d: {  	s18 =	simm.s32 $0x0;
	s12 =	rddreg [dreg:$0xa];
	[sflag:s31] =	ssyncadd.s32 $0xFFFFC000  }
0x2e: {  	[hbm4b:s12+s18] =	stream.linear.scatter [tilespmem:s23], [sflag:$0xA], $0x4000, $0x38;
	[tilespmem:$0x1C400] =	vst v63  }
0x2f: {  	_ =	swait.ge [sflag:s20], $0x4000  }
0x30: {  	[sflag:s20] =	ssyncset.done $0x0  }
0x31: {  	[sflag:s20] =	ssyncadd.s32 $0xFFFFC000  }
0x32: {  	_ =	swait.ge [sflag:s25], $0x4000  }
0x33: {  	[sflag:s25] =	ssyncset.done $0x0  }
0x34: {  	s19 =	rddreg [dreg:$0xb];
	[sflag:s25] =	ssyncadd.s32 $0xFFFFC000  }
0x35: {  	[hbm4b:s19+s18] =	stream.linear.scatter [tilespmem:s24], [sflag:$0xA], $0x4000, $0x38;
	[tilespmem:$0x1C400] =	vst v63  }
0x36: {  	_ =	swait.ge [sflag:s20], $0x4000  }
0x37: {  	[sflag:s20] =	ssyncset.done $0x0  }
0x38: {  	[sflag:s20] =	ssyncadd.s32 $0xFFFFC000  }
0x39: {  	_ =	swait.ge [sflag:s9], $0x4000  }
0x3a: {  	[sflag:s9] =	ssyncset.done $0x0  }
0x3b: {  	s12 =	rddreg [dreg:$0xc];
	[sflag:s9] =	ssyncadd.s32 $0xFFFFC000  }
0x3c: {  	[hbm4b:s12+s18] =	stream.linear.scatter [tilespmem:s26], [sflag:$0xA], $0x4000, $0x38;
	[tilespmem:$0x1C400] =	vst v63  }
0x3d: {  	_ =	swait.ge [sflag:s20], $0x4000  }
0x3e: {  	[sflag:s20] =	ssyncset.done $0x0  }
0x3f: {  	[sflag:s20] =	ssyncadd.s32 $0xFFFFC000  }
0x40: {  	_ =	swait.ge [sflag:s11], $0x4000  }
0x41: {  	[sflag:s11] =	ssyncset.done $0x0  }
0x42: {  	s19 =	rddreg [dreg:$0xd];
	[sflag:s11] =	ssyncadd.s32 $0xFFFFC000  }
0x43: {  	[hbm4b:s19+s18] =	stream.linear.scatter [tilespmem:s29], [sflag:$0xA], $0x4000, $0x38;
	[tilespmem:$0x1C400] =	vst v63  }
0x44: {  	_ =	swait.ge [sflag:s20], $0x4000  }
0x45: {  	s12 =	rddreg [dreg:$0x6]  }
0x46: {  	[sflag:s20] =	ssyncset.done $0x0;
	s19 =	rddreg [dreg:$0x10]  }
0x47: {  	[sflag:s20] =	ssyncadd.s32 $0xFFFFC000;
	s4 =	sor.u32 $0x1C0A, s12;
	s12 =	rddreg [dreg:$0xe]  }
0x48: {  	[hbm:s12], [sflag:s4] =	dma.local [spmem:s19], $0x1000  }
0x49: {  	_ =	swait.ge [sflag:s20], $0x1000  }
0x4a: {  	s21 =	sadd.s32 $0x1, s21;
	s12 =	smov.u32 s19;
	s19 =	rddreg [dreg:$0xf]  }
0x4b: {  	p0 =	sne.s32 s21, s19  }
.Ltmp1:
0x4c: {  	_ = 	snop;
	(pc) =	sbr.rel @!p0 .LBB2_5-.Ltmp1, $3  }
0x4d: {  	_ =	sdelay $0x1  }
0x4e: {  	[sflag:s20] =	ssyncset.done $0x0  }
0x4f: {  	[sflag:s20] =	ssyncadd.s32 $0xFFFFF000  }
.LBB2_1:
0x50: {  	s4 =	rddreg [dreg:$0x7]  }
0x51: {  	[spmem:s12], [sflag:s4] =	dma.local [hbm:s5], $0x1000  }
0x52: {  	s4 =	rddreg [dreg:$0x8]  }
0x53: {  	[tilespmem:s18], [sflag:$0xA] =	stream.linear.gather [hbm4b:s4+s18], $0x4000, $0x38;
	[tilespmem:$0x1C400] =	vst v63  }
0x54: {  	_ =	swait.ge [sflag:s20], $0x4000  }
0x55: {  	[sflag:s20] =	ssyncset.done $0x0  }
0x56: {  	s12 =	rddreg [dreg:$0x9];
	[sflag:s20] =	ssyncadd.s32 $0xFFFFC000  }
0x57: {  	[tilespmem:s30], [sflag:$0xA] =	stream.linear.gather [hbm4b:s12+s18], $0x200, $0x38;
	[tilespmem:$0x1C400] =	vst v63  }
0x58: {  	_ =	swait.ge [sflag:s20], $0x200  }
0x59: {  	[sflag:s20] =	ssyncset.done $0x0  }
0x5a: {  	[sflag:s20] =	ssyncadd.s32 $0xFFFFFE00  }
0x5b: {  	[tilespmem:s23], [sflag:$0x1] =	stream.indirect.gather [hbm4b:s0+s22], $0x80, s18, s22, $0xb8;
	[tilespmem:$0x1C400] =	vst v63  }
0x5c: {  	_ = 	snop  }
0x5d: {  	[tilespmem:s24], [sflag:$0x2] =	stream.indirect.gather [hbm4b:s0+s22], $0x80, s22, s22, $0xb8;
	[tilespmem:$0x1C400] =	vst v63  }
0x5e: {  	s18 =	simm.s32 $0x100  }
0x5f: {  	[tilespmem:s26], [sflag:$0x3] =	stream.indirect.gather [hbm4b:s0+s22], $0x80, s18, s22, $0xb8;
	[tilespmem:$0x1C400] =	vst v63  }
0x60: {  	s19 =	simm.s32 $0x180;
	s30 =	simm.s32 $0x9  }
0x61: {  	[tilespmem:s29], [sflag:$0x4] =	stream.indirect.gather [hbm4b:s0+s22], $0x80, s19, s22, $0xb8;
	[tilespmem:$0x1C400] =	vst v63  }
0x62: {  	_ =	swait.ge [sflag:s30], $0x1000  }
0x63: {  	[sflag:s30] =	ssyncset.done $0x0  }
0x64: {  	s12 =	simm.s32 $0x0;
	s18 =	simm.s32 $0x0;
	[sflag:s30] =	ssyncadd.s32 $0xFFFFF000  }
.LBB2_2:
0x65: {  	_ =	swait.ge [sflag:s31], $0x4000;
	s30 =	sand.u32 $0xF0, s18  }
0x66: {  	[sflag:s31] =	ssyncset.done $0x0;
	s30 =	sor.u32 s7, s30  }
0x67: {  	[sflag:s31] =	ssyncadd.s32 $0xFFFFC000;
	v0 =	vmov s30  }
0x68: {  	s19 =	sor.u32 $0x1, s30;
	[tilespmem:$0x14200] =	vst v0  }
0x69: {  	[tilespmem:$0x14210] =	vst v0;
	v49 =	vmov s19  }
0x6a: {  	s4 =	sor.u32 $0x2, s30;
	[tilespmem:$0x14220] =	vst v49  }
0x6b: {  	v50 =	vmov s4;
	[tilespmem:$0x14230] =	vst v49  }
0x6c: {  	s4 =	sor.u32 $0x3, s30;
	[tilespmem:$0x14240] =	vst v50  }
0x6d: {  	[tilespmem:$0x14250] =	vst v50;
	v51 =	vmov s4  }
0x6e: {  	[tilespmem:$0x14260] =	vst v51  }
0x6f: {  	[tilespmem:$0x14270] =	vst v51  }
0x70: {  	[spmem:s3] =	stream.indirect.scatter.add.f32 [tilespmem:s23], [sflag:$0x5], $0x80, s1, s22, $0xb8;
	[tilespmem:$0x1C400] =	vst v63  }
0x71: {  	_ =	swait.ge [sflag:s25], $0x4000  }
0x72: {  	s4 =	sor.u32 $0x4, s30;
	[sflag:s25] =	ssyncset.done $0x0  }
0x73: {  	v52 =	vmov s4;
	[sflag:s25] =	ssyncadd.s32 $0xFFFFC000  }
0x74: {  	s4 =	sor.u32 $0x5, s30;
	[tilespmem:$0x14280] =	vst v52  }
0x75: {  	v53 =	vmov s4;
	[tilespmem:$0x14290] =	vst v52  }
0x76: {  	s4 =	sor.u32 $0x6, s30;
	[tilespmem:$0x142A0] =	vst v53  }
0x77: {  	v54 =	vmov s4;
	[tilespmem:$0x142B0] =	vst v53  }
0x78: {  	s4 =	sor.u32 $0x7, s30;
	[tilespmem:$0x142C0] =	vst v54  }
0x79: {  	v55 =	vmov s4;
	[tilespmem:$0x142D0] =	vst v54  }
0x7a: {  	[tilespmem:$0x142E0] =	vst v55  }
0x7b: {  	[tilespmem:$0x142F0] =	vst v55  }
0x7c: {  	[spmem:s3] =	stream.indirect.scatter.add.f32 [tilespmem:s24], [sflag:$0x6], $0x80, s28, s22, $0xb8;
	[tilespmem:$0x1C400] =	vst v63  }
0x7d: {  	_ =	swait.ge [sflag:s9], $0x4000  }
0x7e: {  	s4 =	sor.u32 $0x8, s30;
	[sflag:s9] =	ssyncset.done $0x0  }
0x7f: {  	v56 =	vmov s4;
	[sflag:s9] =	ssyncadd.s32 $0xFFFFC000  }
0x80: {  	s4 =	sor.u32 $0x9, s30;
	[tilespmem:$0x14300] =	vst v56  }
0x81: {  	v57 =	vmov s4;
	[tilespmem:$0x14310] =	vst v56  }
0x82: {  	s4 =	sor.u32 $0xA, s30;
	[tilespmem:$0x14320] =	vst v57  }
0x83: {  	v58 =	vmov s4;
	[tilespmem:$0x14330] =	vst v57  }
0x84: {  	s4 =	sor.u32 $0xB, s30;
	[tilespmem:$0x14340] =	vst v58  }
0x85: {  	v59 =	vmov s4;
	[tilespmem:$0x14350] =	vst v58  }
0x86: {  	[tilespmem:$0x14360] =	vst v59  }
0x87: {  	[tilespmem:$0x14370] =	vst v59  }
0x88: {  	[spmem:s3] =	stream.indirect.scatter.add.f32 [tilespmem:s26], [sflag:$0x7], $0x80, s10, s22, $0xb8;
	[tilespmem:$0x1C400] =	vst v63  }
0x89: {  	_ =	swait.ge [sflag:s11], $0x4000  }
0x8a: {  	s4 =	sor.u32 $0xC, s30;
	[sflag:s11] =	ssyncset.done $0x0  }
0x8b: {  	v60 =	vmov s4;
	[sflag:s11] =	ssyncadd.s32 $0xFFFFC000  }
0x8c: {  	s4 =	sor.u32 $0xD, s30;
	[tilespmem:$0x14380] =	vst v60  }
0x8d: {  	v61 =	vmov s4;
	[tilespmem:$0x14390] =	vst v60  }
0x8e: {  	s4 =	sor.u32 $0xE, s30;
	[tilespmem:$0x143A0] =	vst v61  }
0x8f: {  	v62 =	vmov s4;
	[tilespmem:$0x143B0] =	vst v61  }
0x90: {  	s30 =	sor.u32 $0xF, s30;
	[tilespmem:$0x143C0] =	vst v62  }
0x91: {  	v63 =	vmov s30;
	[tilespmem:$0x143D0] =	vst v62  }
0x92: {  	p0 =	seq.s32 s12, $0xF800;
	[tilespmem:$0x143E0] =	vst v63  }
.Ltmp2:
0x93: {  	[tilespmem:$0x143F0] =	vst v63;
	(pc) =	sbr.rel @p0 .LBB2_4-.Ltmp2, $4  }
0x94: {  	[spmem:s3] =	stream.indirect.scatter.add.f32 [tilespmem:s29], [sflag:$0x8], $0x80, s6, s22, $0xb8;
	[tilespmem:$0x1C400] =	vst v63  }
0x95: {  	_ =	swait.ge [sflag:s14], $0x4000  }
0x96: {  	[sflag:s14] =	ssyncset.done $0x0  }
0x97: {  	[sflag:s14] =	ssyncadd.s32 $0xFFFFC000  }
0x98: {  	s19 =	sshra.s32 s12, $0x2  }
0x99: {  	s30 =	sadd.s32 $0x200, s19  }
0x9a: {  	[tilespmem:s23], [sflag:$0x1] =	stream.indirect.gather [hbm4b:s0+s22], $0x80, s30, s22, $0xb8;
	[tilespmem:$0x1C400] =	vst v63  }
0x9b: {  	_ =	swait.ge [sflag:s15], $0x4000  }
0x9c: {  	[sflag:s15] =	ssyncset.done $0x0  }
0x9d: {  	s4 =	sadd.s32 $0x280, s19;
	[sflag:s15] =	ssyncadd.s32 $0xFFFFC000  }
0x9e: {  	[tilespmem:s24], [sflag:$0x2] =	stream.indirect.gather [hbm4b:s0+s22], $0x80, s4, s22, $0xb8;
	[tilespmem:$0x1C400] =	vst v63  }
0x9f: {  	_ =	swait.ge [sflag:s16], $0x4000  }
0xa0: {  	[sflag:s16] =	ssyncset.done $0x0  }
0xa1: {  	s4 =	sadd.s32 $0x300, s19;
	[sflag:s16] =	ssyncadd.s32 $0xFFFFC000  }
0xa2: {  	[tilespmem:s26], [sflag:$0x3] =	stream.indirect.gather [hbm4b:s0+s22], $0x80, s4, s22, $0xb8;
	[tilespmem:$0x1C400] =	vst v63  }
0xa3: {  	_ =	swait.ge [sflag:s17], $0x4000  }
0xa4: {  	[sflag:s17] =	ssyncset.done $0x0  }
0xa5: {  	p0 =	sne.s32 s12, $0x7800;
	s19 =	sadd.s32 $0x380, s19;
	[sflag:s17] =	ssyncadd.s32 $0xFFFFC000  }
0xa6: {  	[tilespmem:s29], [sflag:$0x4] =	stream.indirect.gather [hbm4b:s0+s22], $0x80, s19, s22, $0xb8;
	[tilespmem:$0x1C400] =	vst v63  }
0xa7: {  	s19 =	sshll.u32 @!p0 s2, $0x6  }
0xa8: {  	s4 =	sshrl.u32 @!p0 s8, $0x3;
	s30 =	sor.u32 @!p0 $0x1C0B, s19  }
0xa9: {  	[hbm:s13], [sflag:s30] =	dma.local @!p0 [spmem:s4], $0x1000  }
0xaa: {  	s30 =	simm.s32 @!p0 $0xB  }
0xab: {  	_ =	swait.ge @!p0 [sflag:s30], $0x1000  }
0xac: {  	[sflag:s30] =	ssyncset.done @!p0 $0x0  }
0xad: {  	s19 =	sor.u32 @!p0 $0x1C0A, s19;
	[sflag:s30] =	ssyncadd.s32 @!p0 $0xFFFFF000  }
0xae: {  	[spmem:s4], [sflag:s19] =	dma.local @!p0 [hbm:s5], $0x1000  }
.Ltmp3:
0xaf: {  	_ = 	snop;
	(pc) =	sbr.rel .LBB2_2-.Ltmp3, $4  }
0xb0: {  	s4 =	simm.s32 @!p0 $0xA  }
0xb1: {  	_ =	swait.ge @!p0 [sflag:s4], $0x1000  }
0xb2: {  	[sflag:s4] =	ssyncset.done @!p0 $0x0  }
0xb3: {  	s12 =	sadd.s32 $0x800, s12;
	s18 =	sadd.s32 $0x10, s18;
	[sflag:s4] =	ssyncadd.s32 @!p0 $0xFFFFF000  }
.LBB2_5:
0xb4: {  	_ =	sfence.sel $0x180000  }
0xb5: {  	[bflag:$0x0] =	sbarrier.arrive $0xFFFF  }
0xb6: {  	_ =	strace $0x90000047  }
0xb7: {  	[bflag:$0x2] =	sbarrier.arrive $0xFFFF  }
0xb8: {  	p0 =	sne.s32 s2, $0x0;
	s0 =	rddreg [dreg:$0x5]  }
0xb9: {  	s0 =	sadd.s32 @!p0 $0x100000, s0  }
0xba: {  	[sflag:s0] =	ssyncadd.tile.s32 @!p0 $0x1;
	_ =	shalt  }
.Lfunc_end2:
_tile_overlayer_lowered:
.L_overlay_start_2:
0xbb: {  	(tag) =	ssettag $0x2  }
0xbc: {  	s0 =	rddreg [dreg:$0x0];
	s2 =	stileid.u32  }
0xbd: {  	s1 =	rddreg [dreg:$0x1];
	p0 =	sne.s32 s2, $0x0  }
0xbe: {  	s3 =	rddreg [dreg:$0x2];
	[bflag:$0x3] =	sbarrier.arrive $0xFFFF;
	s2 =	simm.s32 @!p0 $0x1C0A  }
0xbf: {  	[timem:s3], [sflag:s2] =	dma.local @!p0 [hbm:s0], s1  }
0xc0: {  	s0 =	simm.s32 @!p0 $0xA  }
0xc1: {  	_ =	swait.ge @!p0 [sflag:s0], s1  }
0xc2: {  	s1 =	ssub.s32 @!p0 $0x0, s1;
	[sflag:s0] =	ssyncset.done @!p0 $0x0  }
0xc3: {  	[sflag:s0] =	ssyncadd.s32 @!p0 s1  }
0xc4: {  	[bflag:$0x3] =	sbarrier.arrive $0xFFFF  }
0xc5: {  	_ =	shalt  }

</sc_bundles>
